<compile_context>
chip_gen: v7x
topology: tpu7x:2x2x1
jax: 0.10.2.dev20260603
libtpu: 0.0.44.dev20260713+nightly
codegen_flags: <defaults>
</compile_context>

<pallas_src>
import functools
import math

import jax
import jax.numpy as jnp
from jax import lax
from jax.experimental import pallas as pl
from jax.experimental.pallas import tpu as pltpu
from jax.experimental.pallas import tpu_sc as plsc

N_NODES = 10000
N_EDGES = 320000
D = 128
DH = D // 2
N_BASIS = 10
RADIAL_NEURONS = 100
NUM_NEIGHBORS = 32

NC = 2
NS = 16
EPT = N_EDGES // NS
B = 80
NB = EPT // B
NPAIR = 5120
RPT = NPAIR // NS
RC = 32
NCHUNK = RPT // RC


def _xl_body(x_ref, w_ref, o_ref):
    o_ref[...] = jnp.dot(x_ref[...], w_ref[...],
                         preferred_element_type=jnp.float32)


def _node_matmul(x, w):
    return pl.pallas_call(
        _xl_body,
        out_shape=jax.ShapeDtypeStruct((N_NODES, D), jnp.float32),
    )(x, w)


BE = 3200


def _mlp_body(emb_ref, attr_ref, dst_ref, w0_ref, w1_ref, o_ref, pf_ref):
    h = jnp.dot(emb_ref[...], w0_ref[...], preferred_element_type=jnp.float32)
    h = jnp.maximum(h, 0.0)
    w = jnp.dot(h, w1_ref[...], preferred_element_type=jnp.float32)
    o_ref[...] = w * attr_ref[...]
    par = (dst_ref[0, 0, :] & 1).astype(jnp.float32)
    pf_ref[...] = jnp.broadcast_to(par[:, None], (BE, 16))


def _edge_mlp(emb, attr, dst, w0, w1):
    grid = (N_EDGES // BE,)
    return pl.pallas_call(
        _mlp_body,
        grid=grid,
        in_specs=[
            pl.BlockSpec((BE, N_BASIS), lambda i: (i, 0)),
            pl.BlockSpec((BE, 1), lambda i: (i, 0)),
            pl.BlockSpec((1, 1, BE), lambda i: (i, 0, 0)),
            pl.BlockSpec((N_BASIS, RADIAL_NEURONS), lambda i: (0, 0)),
            pl.BlockSpec((RADIAL_NEURONS, D), lambda i: (0, 0)),
        ],
        out_specs=[
            pl.BlockSpec((BE, D), lambda i: (i, 0)),
            pl.BlockSpec((BE, 16), lambda i: (i, 0)),
        ],
        out_shape=[
            jax.ShapeDtypeStruct((N_EDGES, D), jnp.float32),
            jax.ShapeDtypeStruct((N_EDGES, 16), jnp.float32),
        ],
    )(emb, attr, dst.reshape(N_EDGES // BE, 1, BE), w0, w1)


def _sc_body(wa_hbm, pf_hbm, src_hbm, dst_hbm, xl_hbm, out_hbm,
             srcv0, srcv1, dstv0, dstv1, wav0, wav1, pfv0, pfv1,
             gv0, gv1, efv0, efv1, bufv, agg_sh,
             sin0, sin1, sg0, sg1, ssc0, ssc1):
    c = lax.axis_index("c")
    s = lax.axis_index("s")

    z16 = jnp.zeros((16,), jnp.float32)

    def zrow(r, acc):
        for j in range(D // 16):
            bufv[r, pl.ds(j * 16, 16)] = z16
        return acc

    lax.fori_loop(0, RC, zrow, 0)
    for h in range(NCHUNK):
        pltpu.sync_copy(bufv, agg_sh.at[pl.ds(s * RPT + h * RC, RC)])
    plsc.subcore_barrier()

    base = s * EPT
    cbase = c * DH
    onef = jnp.ones((16,), jnp.float32)

    srcs = (srcv0, srcv1)
    dsts = (dstv0, dstv1)
    wavs = (wav0, wav1)
    pfvs = (pfv0, pfv1)
    gvs = (gv0, gv1)
    efvs = (efv0, efv1)
    sins = (sin0, sin1)
    sgs = (sg0, sg1)
    sscs = (ssc0, ssc1)

    def in_copies(b, p):
        off = base + b * B
        return (
            pltpu.make_async_copy(
                src_hbm.at[pl.ds(off, B)], srcs[p], sins[p]),
            pltpu.make_async_copy(
                wa_hbm.at[pl.ds(off * D, B * D)], wavs[p], sins[p]),
            pltpu.make_async_copy(
                pf_hbm.at[pl.ds(off * 16, B * 16)], pfvs[p], sins[p]),
        )

    def scat(p):
        return pltpu.make_async_copy(
            efvs[p], agg_sh.at[dsts[p].at[0]], sscs[p])

    for p in range(2):
        for cp in in_copies(p, p):
            cp.start()

    def gloop(g, carry):
        for p in range(2):
            b = 2 * g + p
            off = base + b * B
            for cp in in_copies(b, p):
                cp.wait()
            pltpu.make_async_copy(xl_hbm.at[srcs[p]], gvs[p], sgs[p]).start()

            @pl.when(g > 0)
            def _():
                scat(p).wait()

            pltpu.sync_copy(dst_hbm.at[pl.ds(off, B)], dsts[p].at[0])
            for k in range(B // 16):
                sl = pl.ds(k * 16, 16)
                dsts[p][0, sl] = dsts[p][0, sl] >> 1

            pltpu.make_async_copy(xl_hbm.at[srcs[p]], gvs[p], sgs[p]).wait()

            def mul(e, acc):
                m1 = pfvs[p][pl.ds(e * 16, 16)]
                m0 = onef - m1
                for j in range(DH // 16):
                    w = wavs[p][pl.ds(e * D + cbase + j * 16, 16)]
                    gg = gvs[p][e, pl.ds(cbase + j * 16, 16)]
                    pr = w * gg
                    efvs[p][e, pl.ds(j * 16, 16)] = pr * m0
                    efvs[p][e, pl.ds(DH + j * 16, 16)] = pr * m1
                return acc

            lax.fori_loop(0, B, mul, 0)
            scat(p).start(add=True)

            @pl.when(b + 2 < NB)
            def _():
                for cp in in_copies(b + 2, p):
                    cp.start()
        return carry

    lax.fori_loop(0, NB // 2, gloop, 0)
    for p in range(2):
        scat(p).wait()
    plsc.subcore_barrier()
    for h in range(NCHUNK):
        pltpu.sync_copy(agg_sh.at[pl.ds(s * RPT + h * RC, RC)], bufv)
        pltpu.sync_copy(
            bufv, out_hbm.at[pl.ds(c * NPAIR + s * RPT + h * RC, RC)])


_sc_mesh = plsc.VectorSubcoreMesh(core_axis_name="c", subcore_axis_name="s")

_sc_scatter = pl.kernel(
    _sc_body,
    out_type=jax.ShapeDtypeStruct((2 * NPAIR, D), jnp.float32),
    mesh=_sc_mesh,
    scratch_types=[
        pltpu.VMEM((B,), jnp.int32),
        pltpu.VMEM((B,), jnp.int32),
        pltpu.VMEM((1, B), jnp.int32),
        pltpu.VMEM((1, B), jnp.int32),
        pltpu.VMEM((B * D,), jnp.float32),
        pltpu.VMEM((B * D,), jnp.float32),
        pltpu.VMEM((B * 16,), jnp.float32),
        pltpu.VMEM((B * 16,), jnp.float32),
        pltpu.VMEM((B, D), jnp.float32),
        pltpu.VMEM((B, D), jnp.float32),
        pltpu.VMEM((B, D), jnp.float32),
        pltpu.VMEM((B, D), jnp.float32),
        pltpu.VMEM((RC, D), jnp.float32),
        pltpu.VMEM_SHARED((NPAIR, D), jnp.float32),
        pltpu.SemaphoreType.DMA,
        pltpu.SemaphoreType.DMA,
        pltpu.SemaphoreType.DMA,
        pltpu.SemaphoreType.DMA,
        pltpu.SemaphoreType.DMA,
        pltpu.SemaphoreType.DMA,
    ],
)


def _final_body(x_ref, a0_ref, a1_ref, wsi_ref, w2_ref, o_ref):
    a = jnp.concatenate([a0_ref[...], a1_ref[...]], axis=1)
    o_ref[...] = (
        jnp.dot(x_ref[...], wsi_ref[...], preferred_element_type=jnp.float32)
        + jnp.dot(a, w2_ref[...], preferred_element_type=jnp.float32)
    )


def _final(x, a0, a1, wsi, w2eff):
    return pl.pallas_call(
        _final_body,
        out_shape=jax.ShapeDtypeStruct((N_NODES, D), jnp.float32),
    )(x, a0, a1, wsi, w2eff)


def kernel(x, edge_src, edge_dst, edge_attr, edge_length_embedded,
           W_si, W_lin1, fc_w0, fc_w1, W_lin2):
    f32 = jnp.float32
    fc0n = (fc_w0 / math.sqrt(N_BASIS)).astype(f32)
    fc1n = (fc_w1 / math.sqrt(RADIAL_NEURONS)).astype(f32)
    wsin = (W_si / math.sqrt(D)).astype(f32)
    wl1n = (W_lin1 / math.sqrt(D)).astype(f32)
    w2eff = (W_lin2 * (0.5 / (math.sqrt(D) * math.sqrt(NUM_NEIGHBORS)))).astype(f32)

    src = edge_src.astype(jnp.int32)
    dst = edge_dst.astype(jnp.int32)

    xl = _node_matmul(x, wl1n)
    wa2, pf = _edge_mlp(edge_length_embedded, edge_attr, dst, fc0n, fc1n)
    agg2 = _sc_scatter(wa2.reshape(N_EDGES * D), pf.reshape(N_EDGES * 16),
                       src, dst, xl)
    a0 = agg2[0:NPAIR].reshape(2 * NPAIR, DH)[0:N_NODES]
    a1 = agg2[NPAIR:2 * NPAIR].reshape(2 * NPAIR, DH)[0:N_NODES]
    return _final(x, a0, a1, wsin, w2eff)

# --- scband reference (transcript-rebuilt; emitter-appended) ---
"""Pipeline reference for scband-convolution-63324997812584 (READ-ONLY COPY).

The authoritative reference and input builder live on the scoring server;
editing this copy changes nothing except your own understanding.
"""

import jax, jax.numpy as jnp
import numpy as np

N_NODES = 10000
N_EDGES = 320000
D = 128
N_BASIS = 10
RADIAL_NEURONS = 100
NUM_NEIGHBORS = 32


def setup_inputs(seed: int = 0) -> dict:
    key = jax.random.key(seed)
    ks = [jax.random.fold_in(key, i) for i in range(10)]
    x = jax.random.normal(ks[0], (N_NODES, D), dtype=jnp.float32)
    edge_src = jax.random.randint(ks[1], (N_EDGES,), 0, N_NODES, dtype=jnp.int64 if jax.config.jax_enable_x64 else jnp.int32)
    edge_dst = jax.random.randint(ks[2], (N_EDGES,), 0, N_NODES, dtype=jnp.int64 if jax.config.jax_enable_x64 else jnp.int32)
    edge_attr = jax.random.normal(ks[3], (N_EDGES, 1), dtype=jnp.float32)
    edge_length_embedded = jax.random.uniform(ks[4], (N_EDGES, N_BASIS), dtype=jnp.float32)
    # learned parameters (e3nn-style: stored as standard normal, normalized by 1/sqrt(fan_in) at apply time)
    W_si = jax.random.normal(ks[5], (D, D), dtype=jnp.float32)
    W_lin1 = jax.random.normal(ks[6], (D, D), dtype=jnp.float32)
    fc_w0 = jax.random.normal(ks[7], (N_BASIS, RADIAL_NEURONS), dtype=jnp.float32)
    fc_w1 = jax.random.normal(ks[8], (RADIAL_NEURONS, D), dtype=jnp.float32)  # tp.weight_numel = 128 (single uvu path, mul=128)
    W_lin2 = jax.random.normal(ks[9], (D, D), dtype=jnp.float32)
    return {"x": x, "edge_src": edge_src, "edge_dst": edge_dst, "edge_attr": edge_attr,
            "edge_length_embedded": edge_length_embedded, "W_si": W_si, "W_lin1": W_lin1,
            "fc_w0": fc_w0, "fc_w1": fc_w1, "W_lin2": W_lin2}


def reference(x, edge_src, edge_dst, edge_attr, edge_length_embedded, W_si, W_lin1, fc_w0, fc_w1, W_lin2):
    # radial MLP (FullyConnectedNet): variance-preserving layers with relu
    h = edge_length_embedded
    h = jax.nn.relu(h @ (fc_w0 / jnp.sqrt(N_BASIS)))
    weight = h @ (fc_w1 / jnp.sqrt(RADIAL_NEURONS))  # [E, D] per-edge tensor-product weights
    # self-interaction and lin1 (e3nn o3.Linear on 128x0e == dense linear / sqrt(fan_in))
    si = x @ (W_si / jnp.sqrt(D))
    xl = x @ (W_lin1 / jnp.sqrt(D))
    # TensorProduct 128x0e (x) 1x0e -> 128x0e, 'uvu', per-edge weights:
    # gather source node features, multiply by scalar edge attr and learned radial weight
    edge_features = weight * xl[edge_src] * edge_attr  # [E, D]
    # scatter-add back to destination nodes, normalize by sqrt(num_neighbors)
    agg = jnp.zeros((x.shape[0], D), dtype=x.dtype).at[edge_dst].add(edge_features)
    agg = agg / jnp.sqrt(jnp.asarray(NUM_NEIGHBORS, dtype=x.dtype))
    out = agg @ (W_lin2 / jnp.sqrt(D))
    return si + 0.5 * out

if __name__ == "__main__":
    import jax
    _d = setup_inputs()
    print(jax.jit(kernel)(*tuple(_d.values())))

</pallas_src>

<mosaic_0001>
#map = affine_map<(d0, d1) -> (0)>
#map1 = affine_map<(d0, d1) -> (0, 0)>
module attributes {stable_mosaic.version = 14 : i64} {
  func.func @_sc_body(%arg0: i32, %arg1: i32, %arg2: memref<40960000xf32, #tpu.memory_space<hbm>>, %arg3: memref<5120000xf32, #tpu.memory_space<hbm>>, %arg4: memref<320000xi32, #tpu.memory_space<hbm>>, %arg5: memref<320000xi32, #tpu.memory_space<hbm>>, %arg6: memref<10000x128xf32, #tpu.memory_space<hbm>>, %arg7: memref<10240x128xf32, #tpu.memory_space<hbm>>, %arg8: memref<80xi32, #tpu.memory_space<vmem>>, %arg9: memref<80xi32, #tpu.memory_space<vmem>>, %arg10: memref<1x80xi32, #tpu.memory_space<vmem>>, %arg11: memref<1x80xi32, #tpu.memory_space<vmem>>, %arg12: memref<10240xf32, #tpu.memory_space<vmem>>, %arg13: memref<10240xf32, #tpu.memory_space<vmem>>, %arg14: memref<1280xf32, #tpu.memory_space<vmem>>, %arg15: memref<1280xf32, #tpu.memory_space<vmem>>, %arg16: memref<80x128xf32, #tpu.memory_space<vmem>>, %arg17: memref<80x128xf32, #tpu.memory_space<vmem>>, %arg18: memref<80x128xf32, #tpu.memory_space<vmem>>, %arg19: memref<80x128xf32, #tpu.memory_space<vmem>>, %arg20: memref<32x128xf32, #tpu.memory_space<vmem>>, %arg21: memref<5120x128xf32, #tpu.memory_space<vmem_shared>>, %arg22: memref<!tpu.dma_semaphore, #tpu.memory_space<semaphore_mem>>, %arg23: memref<!tpu.dma_semaphore, #tpu.memory_space<semaphore_mem>>, %arg24: memref<!tpu.dma_semaphore, #tpu.memory_space<semaphore_mem>>, %arg25: memref<!tpu.dma_semaphore, #tpu.memory_space<semaphore_mem>>, %arg26: memref<!tpu.dma_semaphore, #tpu.memory_space<semaphore_mem>>, %arg27: memref<!tpu.dma_semaphore, #tpu.memory_space<semaphore_mem>>) attributes {dimension_semantics = [#tpu.dimension_semantics<core_parallel>, #tpu.dimension_semantics<subcore_parallel>], iteration_bounds = array<i64: 2, 16>, scalar_prefetch = 0 : i64, scratch_operands = 20 : i64, tpu.core_type = #tpu.core_type<sc_vector_subcore>, window_params = [{transform_indices = #map}, {transform_indices = #map}, {transform_indices = #map}, {transform_indices = #map}, {transform_indices = #map1}, {transform_indices = #map1}]} {
    %broadcast_in_dim3A = arith.constant 0.000000e+00 : f32
    %broadcast_in_dim3A_0 = vector.broadcast %broadcast_in_dim3A : f32 to vector<16xf32>
    %scan3A = arith.constant 0 : i32
    %scan3A_1 = arith.constant 0 : i32
    %scan3A_2 = arith.constant 32 : i32
    %scan3A_3 = arith.addi %scan3A_1, %scan3A_2 : i32
    %scan3A_4 = arith.constant 1 : i32
    scf.for %scan3A_203 = %scan3A_1 to %scan3A_3 step %scan3A_4  : i32 {
      %swap3A = arith.index_cast %scan3A_203 : i32 to index
      %swap3A_204 = arith.constant 0 : index
      %swap3A_205 = tpu.vector_load %arg20[%swap3A, %swap3A_204] {strides = array<i32>} : memref<32x128xf32, #tpu.memory_space<vmem>>, vector<1x16xf32>,
      %swap3A_206 = vector.shape_cast %swap3A_205 : vector<1x16xf32> to vector<16xf32>
      %swap3A_207 = vector.shape_cast %broadcast_in_dim3A_0 : vector<16xf32> to vector<1x16xf32>
      tpu.vector_store %arg20[%swap3A, %swap3A_204], %swap3A_207 {strides = array<i32>} : memref<32x128xf32, #tpu.memory_space<vmem>>, vector<1x16xf32>,
      %swap3A_208 = arith.index_cast %scan3A_203 : i32 to index
      %swap3A_209 = arith.constant 16 : index
      %swap3A_210 = tpu.vector_load %arg20[%swap3A_208, %swap3A_209] {strides = array<i32>} : memref<32x128xf32, #tpu.memory_space<vmem>>, vector<1x16xf32>,
      %swap3A_211 = vector.shape_cast %swap3A_210 : vector<1x16xf32> to vector<16xf32>
      %swap3A_212 = vector.shape_cast %broadcast_in_dim3A_0 : vector<16xf32> to vector<1x16xf32>
      tpu.vector_store %arg20[%swap3A_208, %swap3A_209], %swap3A_212 {strides = array<i32>} : memref<32x128xf32, #tpu.memory_space<vmem>>, vector<1x16xf32>,
      %swap3A_213 = arith.index_cast %scan3A_203 : i32 to index
      %swap3A_214 = arith.constant 32 : index
      %swap3A_215 = tpu.vector_load %arg20[%swap3A_213, %swap3A_214] {strides = array<i32>} : memref<32x128xf32, #tpu.memory_space<vmem>>, vector<1x16xf32>,
      %swap3A_216 = vector.shape_cast %swap3A_215 : vector<1x16xf32> to vector<16xf32>
      %swap3A_217 = vector.shape_cast %broadcast_in_dim3A_0 : vector<16xf32> to vector<1x16xf32>
      tpu.vector_store %arg20[%swap3A_213, %swap3A_214], %swap3A_217 {strides = array<i32>} : memref<32x128xf32, #tpu.memory_space<vmem>>, vector<1x16xf32>,
      %swap3A_218 = arith.index_cast %scan3A_203 : i32 to index
      %swap3A_219 = arith.constant 48 : index
      %swap3A_220 = tpu.vector_load %arg20[%swap3A_218, %swap3A_219] {strides = array<i32>} : memref<32x128xf32, #tpu.memory_space<vmem>>, vector<1x16xf32>,
      %swap3A_221 = vector.shape_cast %swap3A_220 : vector<1x16xf32> to vector<16xf32>
      %swap3A_222 = vector.shape_cast %broadcast_in_dim3A_0 : vector<16xf32> to vector<1x16xf32>
      tpu.vector_store %arg20[%swap3A_218, %swap3A_219], %swap3A_222 {strides = array<i32>} : memref<32x128xf32, #tpu.memory_space<vmem>>, vector<1x16xf32>,
      %swap3A_223 = arith.index_cast %scan3A_203 : i32 to index
      %swap3A_224 = arith.constant 64 : index
      %swap3A_225 = tpu.vector_load %arg20[%swap3A_223, %swap3A_224] {strides = array<i32>} : memref<32x128xf32, #tpu.memory_space<vmem>>, vector<1x16xf32>,
      %swap3A_226 = vector.shape_cast %swap3A_225 : vector<1x16xf32> to vector<16xf32>
      %swap3A_227 = vector.shape_cast %broadcast_in_dim3A_0 : vector<16xf32> to vector<1x16xf32>
      tpu.vector_store %arg20[%swap3A_223, %swap3A_224], %swap3A_227 {strides = array<i32>} : memref<32x128xf32, #tpu.memory_space<vmem>>, vector<1x16xf32>,
      %swap3A_228 = arith.index_cast %scan3A_203 : i32 to index
      %swap3A_229 = arith.constant 80 : index
      %swap3A_230 = tpu.vector_load %arg20[%swap3A_228, %swap3A_229] {strides = array<i32>} : memref<32x128xf32, #tpu.memory_space<vmem>>, vector<1x16xf32>,
      %swap3A_231 = vector.shape_cast %swap3A_230 : vector<1x16xf32> to vector<16xf32>
      %swap3A_232 = vector.shape_cast %broadcast_in_dim3A_0 : vector<16xf32> to vector<1x16xf32>
      tpu.vector_store %arg20[%swap3A_228, %swap3A_229], %swap3A_232 {strides = array<i32>} : memref<32x128xf32, #tpu.memory_space<vmem>>, vector<1x16xf32>,
      %swap3A_233 = arith.index_cast %scan3A_203 : i32 to index
      %swap3A_234 = arith.constant 96 : index
      %swap3A_235 = tpu.vector_load %arg20[%swap3A_233, %swap3A_234] {strides = array<i32>} : memref<32x128xf32, #tpu.memory_space<vmem>>, vector<1x16xf32>,
      %swap3A_236 = vector.shape_cast %swap3A_235 : vector<1x16xf32> to vector<16xf32>
      %swap3A_237 = vector.shape_cast %broadcast_in_dim3A_0 : vector<16xf32> to vector<1x16xf32>
      tpu.vector_store %arg20[%swap3A_233, %swap3A_234], %swap3A_237 {strides = array<i32>} : memref<32x128xf32, #tpu.memory_space<vmem>>, vector<1x16xf32>,
      %swap3A_238 = arith.index_cast %scan3A_203 : i32 to index
      %swap3A_239 = arith.constant 112 : index
      %swap3A_240 = tpu.vector_load %arg20[%swap3A_238, %swap3A_239] {strides = array<i32>} : memref<32x128xf32, #tpu.memory_space<vmem>>, vector<1x16xf32>,
      %swap3A_241 = vector.shape_cast %swap3A_240 : vector<1x16xf32> to vector<16xf32>
      %swap3A_242 = vector.shape_cast %broadcast_in_dim3A_0 : vector<16xf32> to vector<1x16xf32>
      tpu.vector_store %arg20[%swap3A_238, %swap3A_239], %swap3A_242 {strides = array<i32>} : memref<32x128xf32, #tpu.memory_space<vmem>>, vector<1x16xf32>,
    }
    %scan3A_5 = arith.constant 32 : i32
    %mul3A = arith.constant 320 : i32
    %mul3A_6 = arith.muli %arg1, %mul3A : i32
    %add3A = arith.constant 0 : i32
    %add3A_7 = arith.addi %mul3A_6, %add3A : i32
    "tpu.region"() ({
      %run_scoped3A = tpu.sem_alloc : memref<!tpu.dma_semaphore, #tpu.memory_space<semaphore_mem>>
      %dma_start3A_203 = arith.constant 0 : i32
      %dma_start3A_204 = tpu.memref_slice %arg21[%add3A_7, %dma_start3A_203] : memref<5120x128xf32, #tpu.memory_space<vmem_shared>> -> memref<32x128xf32, #tpu.memory_space<vmem_shared>>
      %dma_start3A_205 = arith.constant 0 : i32
      %dma_start3A_206 = tpu.memref_slice %arg21[%add3A_7, %dma_start3A_205] : memref<5120x128xf32, #tpu.memory_space<vmem_shared>> -> memref<32x128xf32, #tpu.memory_space<vmem_shared>>
      tpu.enqueue_dma source(%arg20 : memref<32x128xf32, #tpu.memory_space<vmem>>) target(%dma_start3A_206 : memref<32x128xf32, #tpu.memory_space<vmem_shared>>) target_semaphore(%run_scoped3A : memref<!tpu.dma_semaphore, #tpu.memory_space<semaphore_mem>>)
      %dma_wait3A_207 = arith.constant 0 : i32
      %dma_wait3A_208 = tpu.memref_slice %arg21[%add3A_7, %dma_wait3A_207] : memref<5120x128xf32, #tpu.memory_space<vmem_shared>> -> memref<32x128xf32, #tpu.memory_space<vmem_shared>>
      %dma_wait3A_209 = arith.constant 0 : i32
      %dma_wait3A_210 = tpu.memref_slice %arg21[%add3A_7, %dma_wait3A_209] : memref<5120x128xf32, #tpu.memory_space<vmem_shared>> -> memref<32x128xf32, #tpu.memory_space<vmem_shared>>
      tpu.wait_dma2 semaphore(%run_scoped3A : memref<!tpu.dma_semaphore, #tpu.memory_space<semaphore_mem>>) src(%arg20 : memref<32x128xf32, #tpu.memory_space<vmem>>) dst(%dma_wait3A_210 : memref<32x128xf32, #tpu.memory_space<vmem_shared>>)
      tpu.yield
    }) : () -> ()
    %mul3A_8 = arith.constant 320 : i32
    %mul3A_9 = arith.muli %arg1, %mul3A_8 : i32
    %add3A_10 = arith.constant 32 : i32
    %add3A_11 = arith.addi %mul3A_9, %add3A_10 : i32
    "tpu.region"() ({
      %run_scoped3A = tpu.sem_alloc : memref<!tpu.dma_semaphore, #tpu.memory_space<semaphore_mem>>
      %dma_start3A_203 = arith.constant 0 : i32
      %dma_start3A_204 = tpu.memref_slice %arg21[%add3A_11, %dma_start3A_203] : memref<5120x128xf32, #tpu.memory_space<vmem_shared>> -> memref<32x128xf32, #tpu.memory_space<vmem_shared>>
      %dma_start3A_205 = arith.constant 0 : i32
      %dma_start3A_206 = tpu.memref_slice %arg21[%add3A_11, %dma_start3A_205] : memref<5120x128xf32, #tpu.memory_space<vmem_shared>> -> memref<32x128xf32, #tpu.memory_space<vmem_shared>>
      tpu.enqueue_dma source(%arg20 : memref<32x128xf32, #tpu.memory_space<vmem>>) target(%dma_start3A_206 : memref<32x128xf32, #tpu.memory_space<vmem_shared>>) target_semaphore(%run_scoped3A : memref<!tpu.dma_semaphore, #tpu.memory_space<semaphore_mem>>)
      %dma_wait3A_207 = arith.constant 0 : i32
      %dma_wait3A_208 = tpu.memref_slice %arg21[%add3A_11, %dma_wait3A_207] : memref<5120x128xf32, #tpu.memory_space<vmem_shared>> -> memref<32x128xf32, #tpu.memory_space<vmem_shared>>
      %dma_wait3A_209 = arith.constant 0 : i32
      %dma_wait3A_210 = tpu.memref_slice %arg21[%add3A_11, %dma_wait3A_209] : memref<5120x128xf32, #tpu.memory_space<vmem_shared>> -> memref<32x128xf32, #tpu.memory_space<vmem_shared>>
      tpu.wait_dma2 semaphore(%run_scoped3A : memref<!tpu.dma_semaphore, #tpu.memory_space<semaphore_mem>>) src(%arg20 : memref<32x128xf32, #tpu.memory_space<vmem>>) dst(%dma_wait3A_210 : memref<32x128xf32, #tpu.memory_space<vmem_shared>>)
      tpu.yield
    }) : () -> ()
    %mul3A_12 = arith.constant 320 : i32
    %mul3A_13 = arith.muli %arg1, %mul3A_12 : i32
    %add3A_14 = arith.constant 64 : i32
    %add3A_15 = arith.addi %mul3A_13, %add3A_14 : i32
    "tpu.region"() ({
      %run_scoped3A = tpu.sem_alloc : memref<!tpu.dma_semaphore, #tpu.memory_space<semaphore_mem>>
      %dma_start3A_203 = arith.constant 0 : i32
      %dma_start3A_204 = tpu.memref_slice %arg21[%add3A_15, %dma_start3A_203] : memref<5120x128xf32, #tpu.memory_space<vmem_shared>> -> memref<32x128xf32, #tpu.memory_space<vmem_shared>>
      %dma_start3A_205 = arith.constant 0 : i32
      %dma_start3A_206 = tpu.memref_slice %arg21[%add3A_15, %dma_start3A_205] : memref<5120x128xf32, #tpu.memory_space<vmem_shared>> -> memref<32x128xf32, #tpu.memory_space<vmem_shared>>
      tpu.enqueue_dma source(%arg20 : memref<32x128xf32, #tpu.memory_space<vmem>>) target(%dma_start3A_206 : memref<32x128xf32, #tpu.memory_space<vmem_shared>>) target_semaphore(%run_scoped3A : memref<!tpu.dma_semaphore, #tpu.memory_space<semaphore_mem>>)
      %dma_wait3A_207 = arith.constant 0 : i32
      %dma_wait3A_208 = tpu.memref_slice %arg21[%add3A_15, %dma_wait3A_207] : memref<5120x128xf32, #tpu.memory_space<vmem_shared>> -> memref<32x128xf32, #tpu.memory_space<vmem_shared>>
      %dma_wait3A_209 = arith.constant 0 : i32
      %dma_wait3A_210 = tpu.memref_slice %arg21[%add3A_15, %dma_wait3A_209] : memref<5120x128xf32, #tpu.memory_space<vmem_shared>> -> memref<32x128xf32, #tpu.memory_space<vmem_shared>>
      tpu.wait_dma2 semaphore(%run_scoped3A : memref<!tpu.dma_semaphore, #tpu.memory_space<semaphore_mem>>) src(%arg20 : memref<32x128xf32, #tpu.memory_space<vmem>>) dst(%dma_wait3A_210 : memref<32x128xf32, #tpu.memory_space<vmem_shared>>)
      tpu.yield
    }) : () -> ()
    %mul3A_16 = arith.constant 320 : i32
    %mul3A_17 = arith.muli %arg1, %mul3A_16 : i32
    %add3A_18 = arith.constant 96 : i32
    %add3A_19 = arith.addi %mul3A_17, %add3A_18 : i32
    "tpu.region"() ({
      %run_scoped3A = tpu.sem_alloc : memref<!tpu.dma_semaphore, #tpu.memory_space<semaphore_mem>>
      %dma_start3A_203 = arith.constant 0 : i32
      %dma_start3A_204 = tpu.memref_slice %arg21[%add3A_19, %dma_start3A_203] : memref<5120x128xf32, #tpu.memory_space<vmem_shared>> -> memref<32x128xf32, #tpu.memory_space<vmem_shared>>
      %dma_start3A_205 = arith.constant 0 : i32
      %dma_start3A_206 = tpu.memref_slice %arg21[%add3A_19, %dma_start3A_205] : memref<5120x128xf32, #tpu.memory_space<vmem_shared>> -> memref<32x128xf32, #tpu.memory_space<vmem_shared>>
      tpu.enqueue_dma source(%arg20 : memref<32x128xf32, #tpu.memory_space<vmem>>) target(%dma_start3A_206 : memref<32x128xf32, #tpu.memory_space<vmem_shared>>) target_semaphore(%run_scoped3A : memref<!tpu.dma_semaphore, #tpu.memory_space<semaphore_mem>>)
      %dma_wait3A_207 = arith.constant 0 : i32
      %dma_wait3A_208 = tpu.memref_slice %arg21[%add3A_19, %dma_wait3A_207] : memref<5120x128xf32, #tpu.memory_space<vmem_shared>> -> memref<32x128xf32, #tpu.memory_space<vmem_shared>>
      %dma_wait3A_209 = arith.constant 0 : i32
      %dma_wait3A_210 = tpu.memref_slice %arg21[%add3A_19, %dma_wait3A_209] : memref<5120x128xf32, #tpu.memory_space<vmem_shared>> -> memref<32x128xf32, #tpu.memory_space<vmem_shared>>
      tpu.wait_dma2 semaphore(%run_scoped3A : memref<!tpu.dma_semaphore, #tpu.memory_space<semaphore_mem>>) src(%arg20 : memref<32x128xf32, #tpu.memory_space<vmem>>) dst(%dma_wait3A_210 : memref<32x128xf32, #tpu.memory_space<vmem_shared>>)
      tpu.yield
    }) : () -> ()
    %mul3A_20 = arith.constant 320 : i32
    %mul3A_21 = arith.muli %arg1, %mul3A_20 : i32
    %add3A_22 = arith.constant 128 : i32
    %add3A_23 = arith.addi %mul3A_21, %add3A_22 : i32
    "tpu.region"() ({
      %run_scoped3A = tpu.sem_alloc : memref<!tpu.dma_semaphore, #tpu.memory_space<semaphore_mem>>
      %dma_start3A_203 = arith.constant 0 : i32
      %dma_start3A_204 = tpu.memref_slice %arg21[%add3A_23, %dma_start3A_203] : memref<5120x128xf32, #tpu.memory_space<vmem_shared>> -> memref<32x128xf32, #tpu.memory_space<vmem_shared>>
      %dma_start3A_205 = arith.constant 0 : i32
      %dma_start3A_206 = tpu.memref_slice %arg21[%add3A_23, %dma_start3A_205] : memref<5120x128xf32, #tpu.memory_space<vmem_shared>> -> memref<32x128xf32, #tpu.memory_space<vmem_shared>>
      tpu.enqueue_dma source(%arg20 : memref<32x128xf32, #tpu.memory_space<vmem>>) target(%dma_start3A_206 : memref<32x128xf32, #tpu.memory_space<vmem_shared>>) target_semaphore(%run_scoped3A : memref<!tpu.dma_semaphore, #tpu.memory_space<semaphore_mem>>)
      %dma_wait3A_207 = arith.constant 0 : i32
      %dma_wait3A_208 = tpu.memref_slice %arg21[%add3A_23, %dma_wait3A_207] : memref<5120x128xf32, #tpu.memory_space<vmem_shared>> -> memref<32x128xf32, #tpu.memory_space<vmem_shared>>
      %dma_wait3A_209 = arith.constant 0 : i32
      %dma_wait3A_210 = tpu.memref_slice %arg21[%add3A_23, %dma_wait3A_209] : memref<5120x128xf32, #tpu.memory_space<vmem_shared>> -> memref<32x128xf32, #tpu.memory_space<vmem_shared>>
      tpu.wait_dma2 semaphore(%run_scoped3A : memref<!tpu.dma_semaphore, #tpu.memory_space<semaphore_mem>>) src(%arg20 : memref<32x128xf32, #tpu.memory_space<vmem>>) dst(%dma_wait3A_210 : memref<32x128xf32, #tpu.memory_space<vmem_shared>>)
      tpu.yield
    }) : () -> ()
    %mul3A_24 = arith.constant 320 : i32
    %mul3A_25 = arith.muli %arg1, %mul3A_24 : i32
    %add3A_26 = arith.constant 160 : i32
    %add3A_27 = arith.addi %mul3A_25, %add3A_26 : i32
    "tpu.region"() ({
      %run_scoped3A = tpu.sem_alloc : memref<!tpu.dma_semaphore, #tpu.memory_space<semaphore_mem>>
      %dma_start3A_203 = arith.constant 0 : i32
      %dma_start3A_204 = tpu.memref_slice %arg21[%add3A_27, %dma_start3A_203] : memref<5120x128xf32, #tpu.memory_space<vmem_shared>> -> memref<32x128xf32, #tpu.memory_space<vmem_shared>>
      %dma_start3A_205 = arith.constant 0 : i32
      %dma_start3A_206 = tpu.memref_slice %arg21[%add3A_27, %dma_start3A_205] : memref<5120x128xf32, #tpu.memory_space<vmem_shared>> -> memref<32x128xf32, #tpu.memory_space<vmem_shared>>
      tpu.enqueue_dma source(%arg20 : memref<32x128xf32, #tpu.memory_space<vmem>>) target(%dma_start3A_206 : memref<32x128xf32, #tpu.memory_space<vmem_shared>>) target_semaphore(%run_scoped3A : memref<!tpu.dma_semaphore, #tpu.memory_space<semaphore_mem>>)
      %dma_wait3A_207 = arith.constant 0 : i32
      %dma_wait3A_208 = tpu.memref_slice %arg21[%add3A_27, %dma_wait3A_207] : memref<5120x128xf32, #tpu.memory_space<vmem_shared>> -> memref<32x128xf32, #tpu.memory_space<vmem_shared>>
      %dma_wait3A_209 = arith.constant 0 : i32
      %dma_wait3A_210 = tpu.memref_slice %arg21[%add3A_27, %dma_wait3A_209] : memref<5120x128xf32, #tpu.memory_space<vmem_shared>> -> memref<32x128xf32, #tpu.memory_space<vmem_shared>>
      tpu.wait_dma2 semaphore(%run_scoped3A : memref<!tpu.dma_semaphore, #tpu.memory_space<semaphore_mem>>) src(%arg20 : memref<32x128xf32, #tpu.memory_space<vmem>>) dst(%dma_wait3A_210 : memref<32x128xf32, #tpu.memory_space<vmem_shared>>)
      tpu.yield
    }) : () -> ()
    %mul3A_28 = arith.constant 320 : i32
    %mul3A_29 = arith.muli %arg1, %mul3A_28 : i32
    %add3A_30 = arith.constant 192 : i32
    %add3A_31 = arith.addi %mul3A_29, %add3A_30 : i32
    "tpu.region"() ({
      %run_scoped3A = tpu.sem_alloc : memref<!tpu.dma_semaphore, #tpu.memory_space<semaphore_mem>>
      %dma_start3A_203 = arith.constant 0 : i32
      %dma_start3A_204 = tpu.memref_slice %arg21[%add3A_31, %dma_start3A_203] : memref<5120x128xf32, #tpu.memory_space<vmem_shared>> -> memref<32x128xf32, #tpu.memory_space<vmem_shared>>
      %dma_start3A_205 = arith.constant 0 : i32
      %dma_start3A_206 = tpu.memref_slice %arg21[%add3A_31, %dma_start3A_205] : memref<5120x128xf32, #tpu.memory_space<vmem_shared>> -> memref<32x128xf32, #tpu.memory_space<vmem_shared>>
      tpu.enqueue_dma source(%arg20 : memref<32x128xf32, #tpu.memory_space<vmem>>) target(%dma_start3A_206 : memref<32x128xf32, #tpu.memory_space<vmem_shared>>) target_semaphore(%run_scoped3A : memref<!tpu.dma_semaphore, #tpu.memory_space<semaphore_mem>>)
      %dma_wait3A_207 = arith.constant 0 : i32
      %dma_wait3A_208 = tpu.memref_slice %arg21[%add3A_31, %dma_wait3A_207] : memref<5120x128xf32, #tpu.memory_space<vmem_shared>> -> memref<32x128xf32, #tpu.memory_space<vmem_shared>>
      %dma_wait3A_209 = arith.constant 0 : i32
      %dma_wait3A_210 = tpu.memref_slice %arg21[%add3A_31, %dma_wait3A_209] : memref<5120x128xf32, #tpu.memory_space<vmem_shared>> -> memref<32x128xf32, #tpu.memory_space<vmem_shared>>
      tpu.wait_dma2 semaphore(%run_scoped3A : memref<!tpu.dma_semaphore, #tpu.memory_space<semaphore_mem>>) src(%arg20 : memref<32x128xf32, #tpu.memory_space<vmem>>) dst(%dma_wait3A_210 : memref<32x128xf32, #tpu.memory_space<vmem_shared>>)
      tpu.yield
    }) : () -> ()
    %mul3A_32 = arith.constant 320 : i32
    %mul3A_33 = arith.muli %arg1, %mul3A_32 : i32
    %add3A_34 = arith.constant 224 : i32
    %add3A_35 = arith.addi %mul3A_33, %add3A_34 : i32
    "tpu.region"() ({
      %run_scoped3A = tpu.sem_alloc : memref<!tpu.dma_semaphore, #tpu.memory_space<semaphore_mem>>
      %dma_start3A_203 = arith.constant 0 : i32
      %dma_start3A_204 = tpu.memref_slice %arg21[%add3A_35, %dma_start3A_203] : memref<5120x128xf32, #tpu.memory_space<vmem_shared>> -> memref<32x128xf32, #tpu.memory_space<vmem_shared>>
      %dma_start3A_205 = arith.constant 0 : i32
      %dma_start3A_206 = tpu.memref_slice %arg21[%add3A_35, %dma_start3A_205] : memref<5120x128xf32, #tpu.memory_space<vmem_shared>> -> memref<32x128xf32, #tpu.memory_space<vmem_shared>>
      tpu.enqueue_dma source(%arg20 : memref<32x128xf32, #tpu.memory_space<vmem>>) target(%dma_start3A_206 : memref<32x128xf32, #tpu.memory_space<vmem_shared>>) target_semaphore(%run_scoped3A : memref<!tpu.dma_semaphore, #tpu.memory_space<semaphore_mem>>)
      %dma_wait3A_207 = arith.constant 0 : i32
      %dma_wait3A_208 = tpu.memref_slice %arg21[%add3A_35, %dma_wait3A_207] : memref<5120x128xf32, #tpu.memory_space<vmem_shared>> -> memref<32x128xf32, #tpu.memory_space<vmem_shared>>
      %dma_wait3A_209 = arith.constant 0 : i32
      %dma_wait3A_210 = tpu.memref_slice %arg21[%add3A_35, %dma_wait3A_209] : memref<5120x128xf32, #tpu.memory_space<vmem_shared>> -> memref<32x128xf32, #tpu.memory_space<vmem_shared>>
      tpu.wait_dma2 semaphore(%run_scoped3A : memref<!tpu.dma_semaphore, #tpu.memory_space<semaphore_mem>>) src(%arg20 : memref<32x128xf32, #tpu.memory_space<vmem>>) dst(%dma_wait3A_210 : memref<32x128xf32, #tpu.memory_space<vmem_shared>>)
      tpu.yield
    }) : () -> ()
    %mul3A_36 = arith.constant 320 : i32
    %mul3A_37 = arith.muli %arg1, %mul3A_36 : i32
    %add3A_38 = arith.constant 256 : i32
    %add3A_39 = arith.addi %mul3A_37, %add3A_38 : i32
    "tpu.region"() ({
      %run_scoped3A = tpu.sem_alloc : memref<!tpu.dma_semaphore, #tpu.memory_space<semaphore_mem>>
      %dma_start3A_203 = arith.constant 0 : i32
      %dma_start3A_204 = tpu.memref_slice %arg21[%add3A_39, %dma_start3A_203] : memref<5120x128xf32, #tpu.memory_space<vmem_shared>> -> memref<32x128xf32, #tpu.memory_space<vmem_shared>>
      %dma_start3A_205 = arith.constant 0 : i32
      %dma_start3A_206 = tpu.memref_slice %arg21[%add3A_39, %dma_start3A_205] : memref<5120x128xf32, #tpu.memory_space<vmem_shared>> -> memref<32x128xf32, #tpu.memory_space<vmem_shared>>
      tpu.enqueue_dma source(%arg20 : memref<32x128xf32, #tpu.memory_space<vmem>>) target(%dma_start3A_206 : memref<32x128xf32, #tpu.memory_space<vmem_shared>>) target_semaphore(%run_scoped3A : memref<!tpu.dma_semaphore, #tpu.memory_space<semaphore_mem>>)
      %dma_wait3A_207 = arith.constant 0 : i32
      %dma_wait3A_208 = tpu.memref_slice %arg21[%add3A_39, %dma_wait3A_207] : memref<5120x128xf32, #tpu.memory_space<vmem_shared>> -> memref<32x128xf32, #tpu.memory_space<vmem_shared>>
      %dma_wait3A_209 = arith.constant 0 : i32
      %dma_wait3A_210 = tpu.memref_slice %arg21[%add3A_39, %dma_wait3A_209] : memref<5120x128xf32, #tpu.memory_space<vmem_shared>> -> memref<32x128xf32, #tpu.memory_space<vmem_shared>>
      tpu.wait_dma2 semaphore(%run_scoped3A : memref<!tpu.dma_semaphore, #tpu.memory_space<semaphore_mem>>) src(%arg20 : memref<32x128xf32, #tpu.memory_space<vmem>>) dst(%dma_wait3A_210 : memref<32x128xf32, #tpu.memory_space<vmem_shared>>)
      tpu.yield
    }) : () -> ()
    %mul3A_40 = arith.constant 320 : i32
    %mul3A_41 = arith.muli %arg1, %mul3A_40 : i32
    %add3A_42 = arith.constant 288 : i32
    %add3A_43 = arith.addi %mul3A_41, %add3A_42 : i32
    "tpu.region"() ({
      %run_scoped3A = tpu.sem_alloc : memref<!tpu.dma_semaphore, #tpu.memory_space<semaphore_mem>>
      %dma_start3A_203 = arith.constant 0 : i32
      %dma_start3A_204 = tpu.memref_slice %arg21[%add3A_43, %dma_start3A_203] : memref<5120x128xf32, #tpu.memory_space<vmem_shared>> -> memref<32x128xf32, #tpu.memory_space<vmem_shared>>
      %dma_start3A_205 = arith.constant 0 : i32
      %dma_start3A_206 = tpu.memref_slice %arg21[%add3A_43, %dma_start3A_205] : memref<5120x128xf32, #tpu.memory_space<vmem_shared>> -> memref<32x128xf32, #tpu.memory_space<vmem_shared>>
      tpu.enqueue_dma source(%arg20 : memref<32x128xf32, #tpu.memory_space<vmem>>) target(%dma_start3A_206 : memref<32x128xf32, #tpu.memory_space<vmem_shared>>) target_semaphore(%run_scoped3A : memref<!tpu.dma_semaphore, #tpu.memory_space<semaphore_mem>>)
      %dma_wait3A_207 = arith.constant 0 : i32
      %dma_wait3A_208 = tpu.memref_slice %arg21[%add3A_43, %dma_wait3A_207] : memref<5120x128xf32, #tpu.memory_space<vmem_shared>> -> memref<32x128xf32, #tpu.memory_space<vmem_shared>>
      %dma_wait3A_209 = arith.constant 0 : i32
      %dma_wait3A_210 = tpu.memref_slice %arg21[%add3A_43, %dma_wait3A_209] : memref<5120x128xf32, #tpu.memory_space<vmem_shared>> -> memref<32x128xf32, #tpu.memory_space<vmem_shared>>
      tpu.wait_dma2 semaphore(%run_scoped3A : memref<!tpu.dma_semaphore, #tpu.memory_space<semaphore_mem>>) src(%arg20 : memref<32x128xf32, #tpu.memory_space<vmem>>) dst(%dma_wait3A_210 : memref<32x128xf32, #tpu.memory_space<vmem_shared>>)
      tpu.yield
    }) : () -> ()
    %barrier3A = arith.constant 0 : index
    tpu.barrier barrier_id(%barrier3A)
    %mul3A_44 = arith.constant 20000 : i32
    %mul3A_45 = arith.muli %arg1, %mul3A_44 : i32
    %mul3A_46 = arith.constant 64 : i32
    %mul3A_47 = arith.muli %arg0, %mul3A_46 : i32
    %broadcast_in_dim3A_48 = arith.constant 1.000000e+00 : f32
    %broadcast_in_dim3A_49 = vector.broadcast %broadcast_in_dim3A_48 : f32 to vector<16xf32>
    %add3A_50 = arith.constant 0 : i32
    %add3A_51 = arith.addi %mul3A_45, %add3A_50 : i32
    %mul3A_52 = arith.constant 128 : i32
    %mul3A_53 = arith.muli %add3A_51, %mul3A_52 : i32
    %mul3A_54 = arith.constant 16 : i32
    %mul3A_55 = arith.muli %add3A_51, %mul3A_54 : i32
    %dma_start3A = tpu.memref_slice %arg4[%add3A_51] : memref<320000xi32, #tpu.memory_space<hbm>> -> memref<80xi32, #tpu.memory_space<hbm>>
    %dma_start3A_56 = tpu.memref_slice %arg4[%add3A_51] : memref<320000xi32, #tpu.memory_space<hbm>> -> memref<80xi32, #tpu.memory_space<hbm>>
    tpu.enqueue_dma source(%dma_start3A_56 : memref<80xi32, #tpu.memory_space<hbm>>) target(%arg8 : memref<80xi32, #tpu.memory_space<vmem>>) target_semaphore(%arg22 : memref<!tpu.dma_semaphore, #tpu.memory_space<semaphore_mem>>)
    %dma_start3A_57 = tpu.memref_slice %arg2[%mul3A_53] : memref<40960000xf32, #tpu.memory_space<hbm>> -> memref<10240xf32, #tpu.memory_space<hbm>>
    %dma_start3A_58 = tpu.memref_slice %arg2[%mul3A_53] : memref<40960000xf32, #tpu.memory_space<hbm>> -> memref<10240xf32, #tpu.memory_space<hbm>>
    tpu.enqueue_dma source(%dma_start3A_58 : memref<10240xf32, #tpu.memory_space<hbm>>) target(%arg12 : memref<10240xf32, #tpu.memory_space<vmem>>) target_semaphore(%arg22 : memref<!tpu.dma_semaphore, #tpu.memory_space<semaphore_mem>>)
    %dma_start3A_59 = tpu.memref_slice %arg3[%mul3A_55] : memref<5120000xf32, #tpu.memory_space<hbm>> -> memref<1280xf32, #tpu.memory_space<hbm>>
    %dma_start3A_60 = tpu.memref_slice %arg3[%mul3A_55] : memref<5120000xf32, #tpu.memory_space<hbm>> -> memref<1280xf32, #tpu.memory_space<hbm>>
    tpu.enqueue_dma source(%dma_start3A_60 : memref<1280xf32, #tpu.memory_space<hbm>>) target(%arg14 : memref<1280xf32, #tpu.memory_space<vmem>>) target_semaphore(%arg22 : memref<!tpu.dma_semaphore, #tpu.memory_space<semaphore_mem>>)
    %add3A_61 = arith.constant 80 : i32
    %add3A_62 = arith.addi %mul3A_45, %add3A_61 : i32
    %mul3A_63 = arith.constant 128 : i32
    %mul3A_64 = arith.muli %add3A_62, %mul3A_63 : i32
    %mul3A_65 = arith.constant 16 : i32
    %mul3A_66 = arith.muli %add3A_62, %mul3A_65 : i32
    %dma_start3A_67 = tpu.memref_slice %arg4[%add3A_62] : memref<320000xi32, #tpu.memory_space<hbm>> -> memref<80xi32, #tpu.memory_space<hbm>>
    %dma_start3A_68 = tpu.memref_slice %arg4[%add3A_62] : memref<320000xi32, #tpu.memory_space<hbm>> -> memref<80xi32, #tpu.memory_space<hbm>>
    tpu.enqueue_dma source(%dma_start3A_68 : memref<80xi32, #tpu.memory_space<hbm>>) target(%arg9 : memref<80xi32, #tpu.memory_space<vmem>>) target_semaphore(%arg23 : memref<!tpu.dma_semaphore, #tpu.memory_space<semaphore_mem>>)
    %dma_start3A_69 = tpu.memref_slice %arg2[%mul3A_64] : memref<40960000xf32, #tpu.memory_space<hbm>> -> memref<10240xf32, #tpu.memory_space<hbm>>
    %dma_start3A_70 = tpu.memref_slice %arg2[%mul3A_64] : memref<40960000xf32, #tpu.memory_space<hbm>> -> memref<10240xf32, #tpu.memory_space<hbm>>
    tpu.enqueue_dma source(%dma_start3A_70 : memref<10240xf32, #tpu.memory_space<hbm>>) target(%arg13 : memref<10240xf32, #tpu.memory_space<vmem>>) target_semaphore(%arg23 : memref<!tpu.dma_semaphore, #tpu.memory_space<semaphore_mem>>)
    %dma_start3A_71 = tpu.memref_slice %arg3[%mul3A_66] : memref<5120000xf32, #tpu.memory_space<hbm>> -> memref<1280xf32, #tpu.memory_space<hbm>>
    %dma_start3A_72 = tpu.memref_slice %arg3[%mul3A_66] : memref<5120000xf32, #tpu.memory_space<hbm>> -> memref<1280xf32, #tpu.memory_space<hbm>>
    tpu.enqueue_dma source(%dma_start3A_72 : memref<1280xf32, #tpu.memory_space<hbm>>) target(%arg15 : memref<1280xf32, #tpu.memory_space<vmem>>) target_semaphore(%arg23 : memref<!tpu.dma_semaphore, #tpu.memory_space<semaphore_mem>>)
    %scan3A_73 = arith.constant 0 : i32
    %scan3A_74 = arith.constant 0 : i32
    %scan3A_75 = arith.constant 125 : i32
    %scan3A_76 = arith.addi %scan3A_74, %scan3A_75 : i32
    %scan3A_77 = arith.constant 1 : i32
    scf.for %scan3A_203 = %scan3A_74 to %scan3A_76 step %scan3A_77  : i32 {
      %mul3A_204 = arith.constant 2 : i32
      %mul3A_205 = arith.muli %mul3A_204, %scan3A_203 : i32
      %add3A_206 = arith.constant 0 : i32
      %add3A_207 = arith.addi %mul3A_205, %add3A_206 : i32
      %mul3A_208 = arith.constant 80 : i32
      %mul3A_209 = arith.muli %add3A_207, %mul3A_208 : i32
      %add3A_210 = arith.addi %mul3A_45, %mul3A_209 : i32
      %mul3A_211 = arith.constant 80 : i32
      %mul3A_212 = arith.muli %add3A_207, %mul3A_211 : i32
      %add3A_213 = arith.addi %mul3A_45, %mul3A_212 : i32
      %mul3A_214 = arith.constant 128 : i32
      %mul3A_215 = arith.muli %add3A_213, %mul3A_214 : i32
      %mul3A_216 = arith.constant 16 : i32
      %mul3A_217 = arith.muli %add3A_213, %mul3A_216 : i32
      %dma_wait3A_218 = tpu.memref_slice %arg4[%add3A_213] : memref<320000xi32, #tpu.memory_space<hbm>> -> memref<80xi32, #tpu.memory_space<hbm>>
      %dma_wait3A_219 = tpu.memref_slice %arg4[%add3A_213] : memref<320000xi32, #tpu.memory_space<hbm>> -> memref<80xi32, #tpu.memory_space<hbm>>
      tpu.wait_dma2 semaphore(%arg22 : memref<!tpu.dma_semaphore, #tpu.memory_space<semaphore_mem>>) src(%dma_wait3A_219 : memref<80xi32, #tpu.memory_space<hbm>>) dst(%arg8 : memref<80xi32, #tpu.memory_space<vmem>>)
      %dma_wait3A_220 = tpu.memref_slice %arg2[%mul3A_215] : memref<40960000xf32, #tpu.memory_space<hbm>> -> memref<10240xf32, #tpu.memory_space<hbm>>
      %dma_wait3A_221 = tpu.memref_slice %arg2[%mul3A_215] : memref<40960000xf32, #tpu.memory_space<hbm>> -> memref<10240xf32, #tpu.memory_space<hbm>>
      tpu.wait_dma2 semaphore(%arg22 : memref<!tpu.dma_semaphore, #tpu.memory_space<semaphore_mem>>) src(%dma_wait3A_221 : memref<10240xf32, #tpu.memory_space<hbm>>) dst(%arg12 : memref<10240xf32, #tpu.memory_space<vmem>>)
      %dma_wait3A_222 = tpu.memref_slice %arg3[%mul3A_217] : memref<5120000xf32, #tpu.memory_space<hbm>> -> memref<1280xf32, #tpu.memory_space<hbm>>
      %dma_wait3A_223 = tpu.memref_slice %arg3[%mul3A_217] : memref<5120000xf32, #tpu.memory_space<hbm>> -> memref<1280xf32, #tpu.memory_space<hbm>>
      tpu.wait_dma2 semaphore(%arg22 : memref<!tpu.dma_semaphore, #tpu.memory_space<semaphore_mem>>) src(%dma_wait3A_223 : memref<1280xf32, #tpu.memory_space<hbm>>) dst(%arg14 : memref<1280xf32, #tpu.memory_space<vmem>>)
      %dma_start3A_224 = arith.constant 0 : i32
      %dma_start3A_225 = arith.constant 0 : i32
      %dma_start3A_226 = tpu.memref_slice %arg6[%dma_start3A_224, %dma_start3A_225] : memref<10000x128xf32, #tpu.memory_space<hbm>> -> memref<10000x128xf32, #tpu.memory_space<hbm>>
      tpu.enqueue_indirect_dma source(%dma_start3A_226 : memref<10000x128xf32, #tpu.memory_space<hbm>>) target(%arg16 : memref<80x128xf32, #tpu.memory_space<vmem>>) offsets(%arg8 : memref<80xi32, #tpu.memory_space<vmem>>) semaphore(%arg24 : memref<!tpu.dma_semaphore, #tpu.memory_space<semaphore_mem>>)
      %gt3A = arith.constant 0 : i32
      %gt3A_227 = arith.cmpi sgt, %scan3A_203, %gt3A : i32
      %convert_element_type3A = arith.extui %gt3A_227 : i1 to i32
      %cond3A = arith.constant 0 : i32
      %cond3A_228 = arith.cmpi ne, %convert_element_type3A, %cond3A : i32
      scf.if %cond3A_228 {
        %dma_wait3A_440 = arith.constant 0 : i32
        %dma_wait3A_441 = arith.constant 0 : i32
        %dma_wait3A_442 = tpu.memref_slice %arg10[%dma_wait3A_440, %dma_wait3A_441] : memref<1x80xi32, #tpu.memory_space<vmem>> -> memref<1x80xi32, #tpu.memory_space<vmem>>
        %dma_wait3A_443 = tpu.memref_squeeze %dma_wait3A_442 : memref<1x80xi32, #tpu.memory_space<vmem>> -> memref<80xi32, #tpu.memory_space<vmem>>
        %dma_wait3A_444 = arith.constant 0 : i32
        %dma_wait3A_445 = arith.constant 0 : i32
        %dma_wait3A_446 = tpu.memref_slice %arg21[%dma_wait3A_444, %dma_wait3A_445] : memref<5120x128xf32, #tpu.memory_space<vmem_shared>> -> memref<5120x128xf32, #tpu.memory_space<vmem_shared>>
        tpu.wait_indirect_dma semaphore(%arg26 : memref<!tpu.dma_semaphore, #tpu.memory_space<semaphore_mem>>) src(%arg18 : memref<80x128xf32, #tpu.memory_space<vmem>>) dst(%dma_wait3A_446 : memref<5120x128xf32, #tpu.memory_space<vmem_shared>>)
      } else {
      }
      %run_scoped3A = arith.constant 0 : i32
      "tpu.region"() ({
        %run_scoped3A_440 = tpu.sem_alloc : memref<!tpu.dma_semaphore, #tpu.memory_space<semaphore_mem>>
        %dma_start3A_441 = arith.constant 0 : i32
        %dma_start3A_442 = tpu.memref_slice %arg10[%run_scoped3A, %dma_start3A_441] : memref<1x80xi32, #tpu.memory_space<vmem>> -> memref<1x80xi32, #tpu.memory_space<vmem>>
        %dma_start3A_443 = tpu.memref_squeeze %dma_start3A_442 : memref<1x80xi32, #tpu.memory_space<vmem>> -> memref<80xi32, #tpu.memory_space<vmem>>
        %dma_start3A_444 = tpu.memref_slice %arg5[%add3A_210] : memref<320000xi32, #tpu.memory_space<hbm>> -> memref<80xi32, #tpu.memory_space<hbm>>
        %dma_start3A_445 = arith.constant 0 : i32
        %dma_start3A_446 = tpu.memref_slice %arg10[%run_scoped3A, %dma_start3A_445] : memref<1x80xi32, #tpu.memory_space<vmem>> -> memref<1x80xi32, #tpu.memory_space<vmem>>
        %dma_start3A_447 = tpu.memref_squeeze %dma_start3A_446 : memref<1x80xi32, #tpu.memory_space<vmem>> -> memref<80xi32, #tpu.memory_space<vmem>>
        %dma_start3A_448 = tpu.memref_slice %arg5[%add3A_210] : memref<320000xi32, #tpu.memory_space<hbm>> -> memref<80xi32, #tpu.memory_space<hbm>>
        tpu.enqueue_dma source(%dma_start3A_448 : memref<80xi32, #tpu.memory_space<hbm>>) target(%dma_start3A_447 : memref<80xi32, #tpu.memory_space<vmem>>) target_semaphore(%run_scoped3A_440 : memref<!tpu.dma_semaphore, #tpu.memory_space<semaphore_mem>>)
        %dma_wait3A_449 = arith.constant 0 : i32
        %dma_wait3A_450 = tpu.memref_slice %arg10[%run_scoped3A, %dma_wait3A_449] : memref<1x80xi32, #tpu.memory_space<vmem>> -> memref<1x80xi32, #tpu.memory_space<vmem>>
        %dma_wait3A_451 = tpu.memref_squeeze %dma_wait3A_450 : memref<1x80xi32, #tpu.memory_space<vmem>> -> memref<80xi32, #tpu.memory_space<vmem>>
        %dma_wait3A_452 = tpu.memref_slice %arg5[%add3A_210] : memref<320000xi32, #tpu.memory_space<hbm>> -> memref<80xi32, #tpu.memory_space<hbm>>
        %dma_wait3A_453 = arith.constant 0 : i32
        %dma_wait3A_454 = tpu.memref_slice %arg10[%run_scoped3A, %dma_wait3A_453] : memref<1x80xi32, #tpu.memory_space<vmem>> -> memref<1x80xi32, #tpu.memory_space<vmem>>
        %dma_wait3A_455 = tpu.memref_squeeze %dma_wait3A_454 : memref<1x80xi32, #tpu.memory_space<vmem>> -> memref<80xi32, #tpu.memory_space<vmem>>
        %dma_wait3A_456 = tpu.memref_slice %arg5[%add3A_210] : memref<320000xi32, #tpu.memory_space<hbm>> -> memref<80xi32, #tpu.memory_space<hbm>>
        tpu.wait_dma2 semaphore(%run_scoped3A_440 : memref<!tpu.dma_semaphore, #tpu.memory_space<semaphore_mem>>) src(%dma_wait3A_456 : memref<80xi32, #tpu.memory_space<hbm>>) dst(%dma_wait3A_455 : memref<80xi32, #tpu.memory_space<vmem>>)
        tpu.yield
      }) : () -> ()
      %get3A = arith.constant 0 : i32
      %get3A_229 = arith.index_cast %get3A : i32 to index
      %get3A_230 = arith.constant 0 : index
      %get3A_231 = tpu.vector_load %arg10[%get3A_229, %get3A_230] {strides = array<i32>} : memref<1x80xi32, #tpu.memory_space<vmem>>, vector<1x16xi32>,
      %get3A_232 = vector.shape_cast %get3A_231 : vector<1x16xi32> to vector<16xi32>
      %shift_right_arithmetic3A = arith.constant 1 : i32
      %shift_right_arithmetic3A_233 = vector.broadcast %shift_right_arithmetic3A : i32 to vector<16xi32>
      %shift_right_arithmetic3A_234 = arith.shrsi %get3A_232, %shift_right_arithmetic3A_233 : vector<16xi32>
      %swap3A = arith.constant 0 : i32
      %swap3A_235 = arith.index_cast %swap3A : i32 to index
      %swap3A_236 = arith.constant 0 : index
      %swap3A_237 = tpu.vector_load %arg10[%swap3A_235, %swap3A_236] {strides = array<i32>} : memref<1x80xi32, #tpu.memory_space<vmem>>, vector<1x16xi32>,
      %swap3A_238 = vector.shape_cast %swap3A_237 : vector<1x16xi32> to vector<16xi32>
      %swap3A_239 = vector.shape_cast %shift_right_arithmetic3A_234 : vector<16xi32> to vector<1x16xi32>
      tpu.vector_store %arg10[%swap3A_235, %swap3A_236], %swap3A_239 {strides = array<i32>} : memref<1x80xi32, #tpu.memory_space<vmem>>, vector<1x16xi32>,
      %get3A_240 = arith.constant 0 : i32
      %get3A_241 = arith.index_cast %get3A_240 : i32 to index
      %get3A_242 = arith.constant 16 : index
      %get3A_243 = tpu.vector_load %arg10[%get3A_241, %get3A_242] {strides = array<i32>} : memref<1x80xi32, #tpu.memory_space<vmem>>, vector<1x16xi32>,
      %get3A_244 = vector.shape_cast %get3A_243 : vector<1x16xi32> to vector<16xi32>
      %shift_right_arithmetic3A_245 = arith.constant 1 : i32
      %shift_right_arithmetic3A_246 = vector.broadcast %shift_right_arithmetic3A_245 : i32 to vector<16xi32>
      %shift_right_arithmetic3A_247 = arith.shrsi %get3A_244, %shift_right_arithmetic3A_246 : vector<16xi32>
      %swap3A_248 = arith.constant 0 : i32
      %swap3A_249 = arith.index_cast %swap3A_248 : i32 to index
      %swap3A_250 = arith.constant 16 : index
      %swap3A_251 = tpu.vector_load %arg10[%swap3A_249, %swap3A_250] {strides = array<i32>} : memref<1x80xi32, #tpu.memory_space<vmem>>, vector<1x16xi32>,
      %swap3A_252 = vector.shape_cast %swap3A_251 : vector<1x16xi32> to vector<16xi32>
      %swap3A_253 = vector.shape_cast %shift_right_arithmetic3A_247 : vector<16xi32> to vector<1x16xi32>
      tpu.vector_store %arg10[%swap3A_249, %swap3A_250], %swap3A_253 {strides = array<i32>} : memref<1x80xi32, #tpu.memory_space<vmem>>, vector<1x16xi32>,
      %get3A_254 = arith.constant 0 : i32
      %get3A_255 = arith.index_cast %get3A_254 : i32 to index
      %get3A_256 = arith.constant 32 : index
      %get3A_257 = tpu.vector_load %arg10[%get3A_255, %get3A_256] {strides = array<i32>} : memref<1x80xi32, #tpu.memory_space<vmem>>, vector<1x16xi32>,
      %get3A_258 = vector.shape_cast %get3A_257 : vector<1x16xi32> to vector<16xi32>
      %shift_right_arithmetic3A_259 = arith.constant 1 : i32
      %shift_right_arithmetic3A_260 = vector.broadcast %shift_right_arithmetic3A_259 : i32 to vector<16xi32>
      %shift_right_arithmetic3A_261 = arith.shrsi %get3A_258, %shift_right_arithmetic3A_260 : vector<16xi32>
      %swap3A_262 = arith.constant 0 : i32
      %swap3A_263 = arith.index_cast %swap3A_262 : i32 to index
      %swap3A_264 = arith.constant 32 : index
      %swap3A_265 = tpu.vector_load %arg10[%swap3A_263, %swap3A_264] {strides = array<i32>} : memref<1x80xi32, #tpu.memory_space<vmem>>, vector<1x16xi32>,
      %swap3A_266 = vector.shape_cast %swap3A_265 : vector<1x16xi32> to vector<16xi32>
      %swap3A_267 = vector.shape_cast %shift_right_arithmetic3A_261 : vector<16xi32> to vector<1x16xi32>
      tpu.vector_store %arg10[%swap3A_263, %swap3A_264], %swap3A_267 {strides = array<i32>} : memref<1x80xi32, #tpu.memory_space<vmem>>, vector<1x16xi32>,
      %get3A_268 = arith.constant 0 : i32
      %get3A_269 = arith.index_cast %get3A_268 : i32 to index
      %get3A_270 = arith.constant 48 : index
      %get3A_271 = tpu.vector_load %arg10[%get3A_269, %get3A_270] {strides = array<i32>} : memref<1x80xi32, #tpu.memory_space<vmem>>, vector<1x16xi32>,
      %get3A_272 = vector.shape_cast %get3A_271 : vector<1x16xi32> to vector<16xi32>
      %shift_right_arithmetic3A_273 = arith.constant 1 : i32
      %shift_right_arithmetic3A_274 = vector.broadcast %shift_right_arithmetic3A_273 : i32 to vector<16xi32>
      %shift_right_arithmetic3A_275 = arith.shrsi %get3A_272, %shift_right_arithmetic3A_274 : vector<16xi32>
      %swap3A_276 = arith.constant 0 : i32
      %swap3A_277 = arith.index_cast %swap3A_276 : i32 to index
      %swap3A_278 = arith.constant 48 : index
      %swap3A_279 = tpu.vector_load %arg10[%swap3A_277, %swap3A_278] {strides = array<i32>} : memref<1x80xi32, #tpu.memory_space<vmem>>, vector<1x16xi32>,
      %swap3A_280 = vector.shape_cast %swap3A_279 : vector<1x16xi32> to vector<16xi32>
      %swap3A_281 = vector.shape_cast %shift_right_arithmetic3A_275 : vector<16xi32> to vector<1x16xi32>
      tpu.vector_store %arg10[%swap3A_277, %swap3A_278], %swap3A_281 {strides = array<i32>} : memref<1x80xi32, #tpu.memory_space<vmem>>, vector<1x16xi32>,
      %get3A_282 = arith.constant 0 : i32
      %get3A_283 = arith.index_cast %get3A_282 : i32 to index
      %get3A_284 = arith.constant 64 : index
      %get3A_285 = tpu.vector_load %arg10[%get3A_283, %get3A_284] {strides = array<i32>} : memref<1x80xi32, #tpu.memory_space<vmem>>, vector<1x16xi32>,
      %get3A_286 = vector.shape_cast %get3A_285 : vector<1x16xi32> to vector<16xi32>
      %shift_right_arithmetic3A_287 = arith.constant 1 : i32
      %shift_right_arithmetic3A_288 = vector.broadcast %shift_right_arithmetic3A_287 : i32 to vector<16xi32>
      %shift_right_arithmetic3A_289 = arith.shrsi %get3A_286, %shift_right_arithmetic3A_288 : vector<16xi32>
      %swap3A_290 = arith.constant 0 : i32
      %swap3A_291 = arith.index_cast %swap3A_290 : i32 to index
      %swap3A_292 = arith.constant 64 : index
      %swap3A_293 = tpu.vector_load %arg10[%swap3A_291, %swap3A_292] {strides = array<i32>} : memref<1x80xi32, #tpu.memory_space<vmem>>, vector<1x16xi32>,
      %swap3A_294 = vector.shape_cast %swap3A_293 : vector<1x16xi32> to vector<16xi32>
      %swap3A_295 = vector.shape_cast %shift_right_arithmetic3A_289 : vector<16xi32> to vector<1x16xi32>
      tpu.vector_store %arg10[%swap3A_291, %swap3A_292], %swap3A_295 {strides = array<i32>} : memref<1x80xi32, #tpu.memory_space<vmem>>, vector<1x16xi32>,
      %dma_wait3A_296 = arith.constant 0 : i32
      %dma_wait3A_297 = arith.constant 0 : i32
      %dma_wait3A_298 = tpu.memref_slice %arg6[%dma_wait3A_296, %dma_wait3A_297] : memref<10000x128xf32, #tpu.memory_space<hbm>> -> memref<10000x128xf32, #tpu.memory_space<hbm>>
      tpu.wait_indirect_dma semaphore(%arg24 : memref<!tpu.dma_semaphore, #tpu.memory_space<semaphore_mem>>) src(%dma_wait3A_298 : memref<10000x128xf32, #tpu.memory_space<hbm>>) dst(%arg16 : memref<80x128xf32, #tpu.memory_space<vmem>>)
      %scan3A_299 = arith.constant 0 : i32
      %scan3A_300 = arith.constant 0 : i32
      %scan3A_301 = arith.constant 80 : i32
      %scan3A_302 = arith.addi %scan3A_300, %scan3A_301 : i32
      %scan3A_303 = arith.constant 1 : i32
      scf.for %scan3A_440 = %scan3A_300 to %scan3A_302 step %scan3A_303  : i32 {
        %mul3A_441 = arith.constant 16 : i32
        %mul3A_442 = arith.muli %scan3A_440, %mul3A_441 : i32
        %get3A_443 = arith.index_cast %mul3A_442 : i32 to index
        %get3A_444 = tpu.vector_load %arg14[%get3A_443] {strides = array<i32>} : memref<1280xf32, #tpu.memory_space<vmem>>, vector<16xf32>,
        %get3A_445 = vector.shape_cast %get3A_444 : vector<16xf32> to vector<16xf32>
        %sub3A = arith.subf %broadcast_in_dim3A_49, %get3A_445 : vector<16xf32>
        %mul3A_446 = arith.constant 128 : i32
        %mul3A_447 = arith.muli %scan3A_440, %mul3A_446 : i32
        %add3A_448 = arith.addi %mul3A_447, %mul3A_47 : i32
        %add3A_449 = arith.constant 0 : i32
        %add3A_450 = arith.addi %add3A_448, %add3A_449 : i32
        %get3A_451 = arith.index_cast %add3A_450 : i32 to index
        %get3A_452 = tpu.vector_load %arg12[%get3A_451] {strides = array<i32>} : memref<10240xf32, #tpu.memory_space<vmem>>, vector<16xf32>,
        %get3A_453 = vector.shape_cast %get3A_452 : vector<16xf32> to vector<16xf32>
        %add3A_454 = arith.constant 0 : i32
        %add3A_455 = arith.addi %mul3A_47, %add3A_454 : i32
        %get3A_456 = arith.index_cast %scan3A_440 : i32 to index
        %get3A_457 = arith.index_cast %add3A_455 : i32 to index
        %get3A_458 = tpu.vector_load %arg16[%get3A_456, %get3A_457] {strides = array<i32>} : memref<80x128xf32, #tpu.memory_space<vmem>>, vector<1x16xf32>,
        %get3A_459 = vector.shape_cast %get3A_458 : vector<1x16xf32> to vector<16xf32>
        %mul3A_460 = arith.mulf %get3A_453, %get3A_459 : vector<16xf32>
        %mul3A_461 = arith.mulf %mul3A_460, %sub3A : vector<16xf32>
        %swap3A_462 = arith.index_cast %scan3A_440 : i32 to index
        %swap3A_463 = arith.constant 0 : index
        %swap3A_464 = tpu.vector_load %arg18[%swap3A_462, %swap3A_463] {strides = array<i32>} : memref<80x128xf32, #tpu.memory_space<vmem>>, vector<1x16xf32>,
        %swap3A_465 = vector.shape_cast %swap3A_464 : vector<1x16xf32> to vector<16xf32>
        %swap3A_466 = vector.shape_cast %mul3A_461 : vector<16xf32> to vector<1x16xf32>
        tpu.vector_store %arg18[%swap3A_462, %swap3A_463], %swap3A_466 {strides = array<i32>} : memref<80x128xf32, #tpu.memory_space<vmem>>, vector<1x16xf32>,
        %mul3A_467 = arith.mulf %mul3A_460, %get3A_445 : vector<16xf32>
        %swap3A_468 = arith.index_cast %scan3A_440 : i32 to index
        %swap3A_469 = arith.constant 64 : index
        %swap3A_470 = tpu.vector_load %arg18[%swap3A_468, %swap3A_469] {strides = array<i32>} : memref<80x128xf32, #tpu.memory_space<vmem>>, vector<1x16xf32>,
        %swap3A_471 = vector.shape_cast %swap3A_470 : vector<1x16xf32> to vector<16xf32>
        %swap3A_472 = vector.shape_cast %mul3A_467 : vector<16xf32> to vector<1x16xf32>
        tpu.vector_store %arg18[%swap3A_468, %swap3A_469], %swap3A_472 {strides = array<i32>} : memref<80x128xf32, #tpu.memory_space<vmem>>, vector<1x16xf32>,
        %mul3A_473 = arith.constant 128 : i32
        %mul3A_474 = arith.muli %scan3A_440, %mul3A_473 : i32
        %add3A_475 = arith.addi %mul3A_474, %mul3A_47 : i32
        %add3A_476 = arith.constant 16 : i32
        %add3A_477 = arith.addi %add3A_475, %add3A_476 : i32
        %get3A_478 = arith.index_cast %add3A_477 : i32 to index
        %get3A_479 = tpu.vector_load %arg12[%get3A_478] {strides = array<i32>} : memref<10240xf32, #tpu.memory_space<vmem>>, vector<16xf32>,
        %get3A_480 = vector.shape_cast %get3A_479 : vector<16xf32> to vector<16xf32>
        %add3A_481 = arith.constant 16 : i32
        %add3A_482 = arith.addi %mul3A_47, %add3A_481 : i32
        %get3A_483 = arith.index_cast %scan3A_440 : i32 to index
        %get3A_484 = arith.index_cast %add3A_482 : i32 to index
        %get3A_485 = tpu.vector_load %arg16[%get3A_483, %get3A_484] {strides = array<i32>} : memref<80x128xf32, #tpu.memory_space<vmem>>, vector<1x16xf32>,
        %get3A_486 = vector.shape_cast %get3A_485 : vector<1x16xf32> to vector<16xf32>
        %mul3A_487 = arith.mulf %get3A_480, %get3A_486 : vector<16xf32>
        %mul3A_488 = arith.mulf %mul3A_487, %sub3A : vector<16xf32>
        %swap3A_489 = arith.index_cast %scan3A_440 : i32 to index
        %swap3A_490 = arith.constant 16 : index
        %swap3A_491 = tpu.vector_load %arg18[%swap3A_489, %swap3A_490] {strides = array<i32>} : memref<80x128xf32, #tpu.memory_space<vmem>>, vector<1x16xf32>,
        %swap3A_492 = vector.shape_cast %swap3A_491 : vector<1x16xf32> to vector<16xf32>
        %swap3A_493 = vector.shape_cast %mul3A_488 : vector<16xf32> to vector<1x16xf32>
        tpu.vector_store %arg18[%swap3A_489, %swap3A_490], %swap3A_493 {strides = array<i32>} : memref<80x128xf32, #tpu.memory_space<vmem>>, vector<1x16xf32>,
        %mul3A_494 = arith.mulf %mul3A_487, %get3A_445 : vector<16xf32>
        %swap3A_495 = arith.index_cast %scan3A_440 : i32 to index
        %swap3A_496 = arith.constant 80 : index
        %swap3A_497 = tpu.vector_load %arg18[%swap3A_495, %swap3A_496] {strides = array<i32>} : memref<80x128xf32, #tpu.memory_space<vmem>>, vector<1x16xf32>,
        %swap3A_498 = vector.shape_cast %swap3A_497 : vector<1x16xf32> to vector<16xf32>
        %swap3A_499 = vector.shape_cast %mul3A_494 : vector<16xf32> to vector<1x16xf32>
        tpu.vector_store %arg18[%swap3A_495, %swap3A_496], %swap3A_499 {strides = array<i32>} : memref<80x128xf32, #tpu.memory_space<vmem>>, vector<1x16xf32>,
        %mul3A_500 = arith.constant 128 : i32
        %mul3A_501 = arith.muli %scan3A_440, %mul3A_500 : i32
        %add3A_502 = arith.addi %mul3A_501, %mul3A_47 : i32
        %add3A_503 = arith.constant 32 : i32
        %add3A_504 = arith.addi %add3A_502, %add3A_503 : i32
        %get3A_505 = arith.index_cast %add3A_504 : i32 to index
        %get3A_506 = tpu.vector_load %arg12[%get3A_505] {strides = array<i32>} : memref<10240xf32, #tpu.memory_space<vmem>>, vector<16xf32>,
        %get3A_507 = vector.shape_cast %get3A_506 : vector<16xf32> to vector<16xf32>
        %add3A_508 = arith.constant 32 : i32
        %add3A_509 = arith.addi %mul3A_47, %add3A_508 : i32
        %get3A_510 = arith.index_cast %scan3A_440 : i32 to index
        %get3A_511 = arith.index_cast %add3A_509 : i32 to index
        %get3A_512 = tpu.vector_load %arg16[%get3A_510, %get3A_511] {strides = array<i32>} : memref<80x128xf32, #tpu.memory_space<vmem>>, vector<1x16xf32>,
        %get3A_513 = vector.shape_cast %get3A_512 : vector<1x16xf32> to vector<16xf32>
        %mul3A_514 = arith.mulf %get3A_507, %get3A_513 : vector<16xf32>
        %mul3A_515 = arith.mulf %mul3A_514, %sub3A : vector<16xf32>
        %swap3A_516 = arith.index_cast %scan3A_440 : i32 to index
        %swap3A_517 = arith.constant 32 : index
        %swap3A_518 = tpu.vector_load %arg18[%swap3A_516, %swap3A_517] {strides = array<i32>} : memref<80x128xf32, #tpu.memory_space<vmem>>, vector<1x16xf32>,
        %swap3A_519 = vector.shape_cast %swap3A_518 : vector<1x16xf32> to vector<16xf32>
        %swap3A_520 = vector.shape_cast %mul3A_515 : vector<16xf32> to vector<1x16xf32>
        tpu.vector_store %arg18[%swap3A_516, %swap3A_517], %swap3A_520 {strides = array<i32>} : memref<80x128xf32, #tpu.memory_space<vmem>>, vector<1x16xf32>,
        %mul3A_521 = arith.mulf %mul3A_514, %get3A_445 : vector<16xf32>
        %swap3A_522 = arith.index_cast %scan3A_440 : i32 to index
        %swap3A_523 = arith.constant 96 : index
        %swap3A_524 = tpu.vector_load %arg18[%swap3A_522, %swap3A_523] {strides = array<i32>} : memref<80x128xf32, #tpu.memory_space<vmem>>, vector<1x16xf32>,
        %swap3A_525 = vector.shape_cast %swap3A_524 : vector<1x16xf32> to vector<16xf32>
        %swap3A_526 = vector.shape_cast %mul3A_521 : vector<16xf32> to vector<1x16xf32>
        tpu.vector_store %arg18[%swap3A_522, %swap3A_523], %swap3A_526 {strides = array<i32>} : memref<80x128xf32, #tpu.memory_space<vmem>>, vector<1x16xf32>,
        %mul3A_527 = arith.constant 128 : i32
        %mul3A_528 = arith.muli %scan3A_440, %mul3A_527 : i32
        %add3A_529 = arith.addi %mul3A_528, %mul3A_47 : i32
        %add3A_530 = arith.constant 48 : i32
        %add3A_531 = arith.addi %add3A_529, %add3A_530 : i32
        %get3A_532 = arith.index_cast %add3A_531 : i32 to index
        %get3A_533 = tpu.vector_load %arg12[%get3A_532] {strides = array<i32>} : memref<10240xf32, #tpu.memory_space<vmem>>, vector<16xf32>,
        %get3A_534 = vector.shape_cast %get3A_533 : vector<16xf32> to vector<16xf32>
        %add3A_535 = arith.constant 48 : i32
        %add3A_536 = arith.addi %mul3A_47, %add3A_535 : i32
        %get3A_537 = arith.index_cast %scan3A_440 : i32 to index
        %get3A_538 = arith.index_cast %add3A_536 : i32 to index
        %get3A_539 = tpu.vector_load %arg16[%get3A_537, %get3A_538] {strides = array<i32>} : memref<80x128xf32, #tpu.memory_space<vmem>>, vector<1x16xf32>,
        %get3A_540 = vector.shape_cast %get3A_539 : vector<1x16xf32> to vector<16xf32>
        %mul3A_541 = arith.mulf %get3A_534, %get3A_540 : vector<16xf32>
        %mul3A_542 = arith.mulf %mul3A_541, %sub3A : vector<16xf32>
        %swap3A_543 = arith.index_cast %scan3A_440 : i32 to index
        %swap3A_544 = arith.constant 48 : index
        %swap3A_545 = tpu.vector_load %arg18[%swap3A_543, %swap3A_544] {strides = array<i32>} : memref<80x128xf32, #tpu.memory_space<vmem>>, vector<1x16xf32>,
        %swap3A_546 = vector.shape_cast %swap3A_545 : vector<1x16xf32> to vector<16xf32>
        %swap3A_547 = vector.shape_cast %mul3A_542 : vector<16xf32> to vector<1x16xf32>
        tpu.vector_store %arg18[%swap3A_543, %swap3A_544], %swap3A_547 {strides = array<i32>} : memref<80x128xf32, #tpu.memory_space<vmem>>, vector<1x16xf32>,
        %mul3A_548 = arith.mulf %mul3A_541, %get3A_445 : vector<16xf32>
        %swap3A_549 = arith.index_cast %scan3A_440 : i32 to index
        %swap3A_550 = arith.constant 112 : index
        %swap3A_551 = tpu.vector_load %arg18[%swap3A_549, %swap3A_550] {strides = array<i32>} : memref<80x128xf32, #tpu.memory_space<vmem>>, vector<1x16xf32>,
        %swap3A_552 = vector.shape_cast %swap3A_551 : vector<1x16xf32> to vector<16xf32>
        %swap3A_553 = vector.shape_cast %mul3A_548 : vector<16xf32> to vector<1x16xf32>
        tpu.vector_store %arg18[%swap3A_549, %swap3A_550], %swap3A_553 {strides = array<i32>} : memref<80x128xf32, #tpu.memory_space<vmem>>, vector<1x16xf32>,
      }
      %scan3A_304 = arith.constant 80 : i32
      %dma_start3A_305 = arith.constant 0 : i32
      %dma_start3A_306 = arith.constant 0 : i32
      %dma_start3A_307 = tpu.memref_slice %arg10[%dma_start3A_305, %dma_start3A_306] : memref<1x80xi32, #tpu.memory_space<vmem>> -> memref<1x80xi32, #tpu.memory_space<vmem>>
      %dma_start3A_308 = tpu.memref_squeeze %dma_start3A_307 : memref<1x80xi32, #tpu.memory_space<vmem>> -> memref<80xi32, #tpu.memory_space<vmem>>
      %dma_start3A_309 = arith.constant 0 : i32
      %dma_start3A_310 = arith.constant 0 : i32
      %dma_start3A_311 = tpu.memref_slice %arg21[%dma_start3A_309, %dma_start3A_310] : memref<5120x128xf32, #tpu.memory_space<vmem_shared>> -> memref<5120x128xf32, #tpu.memory_space<vmem_shared>>
      tpu.enqueue_indirect_dma source(%arg18 : memref<80x128xf32, #tpu.memory_space<vmem>>) target(%dma_start3A_311 : memref<5120x128xf32, #tpu.memory_space<vmem_shared>>) offsets(%dma_start3A_308 : memref<80xi32, #tpu.memory_space<vmem>>) semaphore(%arg26 : memref<!tpu.dma_semaphore, #tpu.memory_space<semaphore_mem>>) {add = true}
      %add3A_312 = arith.constant 2 : i32
      %add3A_313 = arith.addi %add3A_207, %add3A_312 : i32
      %lt3A = arith.constant 250 : i32
      %lt3A_314 = arith.cmpi slt, %add3A_313, %lt3A : i32
      %convert_element_type3A_315 = arith.extui %lt3A_314 : i1 to i32
      %cond3A_316 = arith.constant 0 : i32
      %cond3A_317 = arith.cmpi ne, %convert_element_type3A_315, %cond3A_316 : i32
      scf.if %cond3A_317 {
        %add3A_440 = arith.constant 2 : i32
        %add3A_441 = arith.addi %add3A_207, %add3A_440 : i32
        %mul3A_442 = arith.constant 80 : i32
        %mul3A_443 = arith.muli %add3A_441, %mul3A_442 : i32
        %add3A_444 = arith.addi %mul3A_45, %mul3A_443 : i32
        %mul3A_445 = arith.constant 128 : i32
        %mul3A_446 = arith.muli %add3A_444, %mul3A_445 : i32
        %mul3A_447 = arith.constant 16 : i32
        %mul3A_448 = arith.muli %add3A_444, %mul3A_447 : i32
        %dma_start3A_449 = tpu.memref_slice %arg4[%add3A_444] : memref<320000xi32, #tpu.memory_space<hbm>> -> memref<80xi32, #tpu.memory_space<hbm>>
        %dma_start3A_450 = tpu.memref_slice %arg4[%add3A_444] : memref<320000xi32, #tpu.memory_space<hbm>> -> memref<80xi32, #tpu.memory_space<hbm>>
        tpu.enqueue_dma source(%dma_start3A_450 : memref<80xi32, #tpu.memory_space<hbm>>) target(%arg8 : memref<80xi32, #tpu.memory_space<vmem>>) target_semaphore(%arg22 : memref<!tpu.dma_semaphore, #tpu.memory_space<semaphore_mem>>)
        %dma_start3A_451 = tpu.memref_slice %arg2[%mul3A_446] : memref<40960000xf32, #tpu.memory_space<hbm>> -> memref<10240xf32, #tpu.memory_space<hbm>>
        %dma_start3A_452 = tpu.memref_slice %arg2[%mul3A_446] : memref<40960000xf32, #tpu.memory_space<hbm>> -> memref<10240xf32, #tpu.memory_space<hbm>>
        tpu.enqueue_dma source(%dma_start3A_452 : memref<10240xf32, #tpu.memory_space<hbm>>) target(%arg12 : memref<10240xf32, #tpu.memory_space<vmem>>) target_semaphore(%arg22 : memref<!tpu.dma_semaphore, #tpu.memory_space<semaphore_mem>>)
        %dma_start3A_453 = tpu.memref_slice %arg3[%mul3A_448] : memref<5120000xf32, #tpu.memory_space<hbm>> -> memref<1280xf32, #tpu.memory_space<hbm>>
        %dma_start3A_454 = tpu.memref_slice %arg3[%mul3A_448] : memref<5120000xf32, #tpu.memory_space<hbm>> -> memref<1280xf32, #tpu.memory_space<hbm>>
        tpu.enqueue_dma source(%dma_start3A_454 : memref<1280xf32, #tpu.memory_space<hbm>>) target(%arg14 : memref<1280xf32, #tpu.memory_space<vmem>>) target_semaphore(%arg22 : memref<!tpu.dma_semaphore, #tpu.memory_space<semaphore_mem>>)
      } else {
      }
      %mul3A_318 = arith.constant 2 : i32
      %mul3A_319 = arith.muli %mul3A_318, %scan3A_203 : i32
      %add3A_320 = arith.constant 1 : i32
      %add3A_321 = arith.addi %mul3A_319, %add3A_320 : i32
      %mul3A_322 = arith.constant 80 : i32
      %mul3A_323 = arith.muli %add3A_321, %mul3A_322 : i32
      %add3A_324 = arith.addi %mul3A_45, %mul3A_323 : i32
      %mul3A_325 = arith.constant 80 : i32
      %mul3A_326 = arith.muli %add3A_321, %mul3A_325 : i32
      %add3A_327 = arith.addi %mul3A_45, %mul3A_326 : i32
      %mul3A_328 = arith.constant 128 : i32
      %mul3A_329 = arith.muli %add3A_327, %mul3A_328 : i32
      %mul3A_330 = arith.constant 16 : i32
      %mul3A_331 = arith.muli %add3A_327, %mul3A_330 : i32
      %dma_wait3A_332 = tpu.memref_slice %arg4[%add3A_327] : memref<320000xi32, #tpu.memory_space<hbm>> -> memref<80xi32, #tpu.memory_space<hbm>>
      %dma_wait3A_333 = tpu.memref_slice %arg4[%add3A_327] : memref<320000xi32, #tpu.memory_space<hbm>> -> memref<80xi32, #tpu.memory_space<hbm>>
      tpu.wait_dma2 semaphore(%arg23 : memref<!tpu.dma_semaphore, #tpu.memory_space<semaphore_mem>>) src(%dma_wait3A_333 : memref<80xi32, #tpu.memory_space<hbm>>) dst(%arg9 : memref<80xi32, #tpu.memory_space<vmem>>)
      %dma_wait3A_334 = tpu.memref_slice %arg2[%mul3A_329] : memref<40960000xf32, #tpu.memory_space<hbm>> -> memref<10240xf32, #tpu.memory_space<hbm>>
      %dma_wait3A_335 = tpu.memref_slice %arg2[%mul3A_329] : memref<40960000xf32, #tpu.memory_space<hbm>> -> memref<10240xf32, #tpu.memory_space<hbm>>
      tpu.wait_dma2 semaphore(%arg23 : memref<!tpu.dma_semaphore, #tpu.memory_space<semaphore_mem>>) src(%dma_wait3A_335 : memref<10240xf32, #tpu.memory_space<hbm>>) dst(%arg13 : memref<10240xf32, #tpu.memory_space<vmem>>)
      %dma_wait3A_336 = tpu.memref_slice %arg3[%mul3A_331] : memref<5120000xf32, #tpu.memory_space<hbm>> -> memref<1280xf32, #tpu.memory_space<hbm>>
      %dma_wait3A_337 = tpu.memref_slice %arg3[%mul3A_331] : memref<5120000xf32, #tpu.memory_space<hbm>> -> memref<1280xf32, #tpu.memory_space<hbm>>
      tpu.wait_dma2 semaphore(%arg23 : memref<!tpu.dma_semaphore, #tpu.memory_space<semaphore_mem>>) src(%dma_wait3A_337 : memref<1280xf32, #tpu.memory_space<hbm>>) dst(%arg15 : memref<1280xf32, #tpu.memory_space<vmem>>)
      %dma_start3A_338 = arith.constant 0 : i32
      %dma_start3A_339 = arith.constant 0 : i32
      %dma_start3A_340 = tpu.memref_slice %arg6[%dma_start3A_338, %dma_start3A_339] : memref<10000x128xf32, #tpu.memory_space<hbm>> -> memref<10000x128xf32, #tpu.memory_space<hbm>>
      tpu.enqueue_indirect_dma source(%dma_start3A_340 : memref<10000x128xf32, #tpu.memory_space<hbm>>) target(%arg17 : memref<80x128xf32, #tpu.memory_space<vmem>>) offsets(%arg9 : memref<80xi32, #tpu.memory_space<vmem>>) semaphore(%arg25 : memref<!tpu.dma_semaphore, #tpu.memory_space<semaphore_mem>>)
      %gt3A_341 = arith.constant 0 : i32
      %gt3A_342 = arith.cmpi sgt, %scan3A_203, %gt3A_341 : i32
      %convert_element_type3A_343 = arith.extui %gt3A_342 : i1 to i32
      %cond3A_344 = arith.constant 0 : i32
      %cond3A_345 = arith.cmpi ne, %convert_element_type3A_343, %cond3A_344 : i32
      scf.if %cond3A_345 {
        %dma_wait3A_440 = arith.constant 0 : i32
        %dma_wait3A_441 = arith.constant 0 : i32
        %dma_wait3A_442 = tpu.memref_slice %arg11[%dma_wait3A_440, %dma_wait3A_441] : memref<1x80xi32, #tpu.memory_space<vmem>> -> memref<1x80xi32, #tpu.memory_space<vmem>>
        %dma_wait3A_443 = tpu.memref_squeeze %dma_wait3A_442 : memref<1x80xi32, #tpu.memory_space<vmem>> -> memref<80xi32, #tpu.memory_space<vmem>>
        %dma_wait3A_444 = arith.constant 0 : i32
        %dma_wait3A_445 = arith.constant 0 : i32
        %dma_wait3A_446 = tpu.memref_slice %arg21[%dma_wait3A_444, %dma_wait3A_445] : memref<5120x128xf32, #tpu.memory_space<vmem_shared>> -> memref<5120x128xf32, #tpu.memory_space<vmem_shared>>
        tpu.wait_indirect_dma semaphore(%arg27 : memref<!tpu.dma_semaphore, #tpu.memory_space<semaphore_mem>>) src(%arg19 : memref<80x128xf32, #tpu.memory_space<vmem>>) dst(%dma_wait3A_446 : memref<5120x128xf32, #tpu.memory_space<vmem_shared>>)
      } else {
      }
      %run_scoped3A_346 = arith.constant 0 : i32
      "tpu.region"() ({
        %run_scoped3A_440 = tpu.sem_alloc : memref<!tpu.dma_semaphore, #tpu.memory_space<semaphore_mem>>
        %dma_start3A_441 = arith.constant 0 : i32
        %dma_start3A_442 = tpu.memref_slice %arg11[%run_scoped3A_346, %dma_start3A_441] : memref<1x80xi32, #tpu.memory_space<vmem>> -> memref<1x80xi32, #tpu.memory_space<vmem>>
        %dma_start3A_443 = tpu.memref_squeeze %dma_start3A_442 : memref<1x80xi32, #tpu.memory_space<vmem>> -> memref<80xi32, #tpu.memory_space<vmem>>
        %dma_start3A_444 = tpu.memref_slice %arg5[%add3A_324] : memref<320000xi32, #tpu.memory_space<hbm>> -> memref<80xi32, #tpu.memory_space<hbm>>
        %dma_start3A_445 = arith.constant 0 : i32
        %dma_start3A_446 = tpu.memref_slice %arg11[%run_scoped3A_346, %dma_start3A_445] : memref<1x80xi32, #tpu.memory_space<vmem>> -> memref<1x80xi32, #tpu.memory_space<vmem>>
        %dma_start3A_447 = tpu.memref_squeeze %dma_start3A_446 : memref<1x80xi32, #tpu.memory_space<vmem>> -> memref<80xi32, #tpu.memory_space<vmem>>
        %dma_start3A_448 = tpu.memref_slice %arg5[%add3A_324] : memref<320000xi32, #tpu.memory_space<hbm>> -> memref<80xi32, #tpu.memory_space<hbm>>
        tpu.enqueue_dma source(%dma_start3A_448 : memref<80xi32, #tpu.memory_space<hbm>>) target(%dma_start3A_447 : memref<80xi32, #tpu.memory_space<vmem>>) target_semaphore(%run_scoped3A_440 : memref<!tpu.dma_semaphore, #tpu.memory_space<semaphore_mem>>)
        %dma_wait3A_449 = arith.constant 0 : i32
        %dma_wait3A_450 = tpu.memref_slice %arg11[%run_scoped3A_346, %dma_wait3A_449] : memref<1x80xi32, #tpu.memory_space<vmem>> -> memref<1x80xi32, #tpu.memory_space<vmem>>
        %dma_wait3A_451 = tpu.memref_squeeze %dma_wait3A_450 : memref<1x80xi32, #tpu.memory_space<vmem>> -> memref<80xi32, #tpu.memory_space<vmem>>
        %dma_wait3A_452 = tpu.memref_slice %arg5[%add3A_324] : memref<320000xi32, #tpu.memory_space<hbm>> -> memref<80xi32, #tpu.memory_space<hbm>>
        %dma_wait3A_453 = arith.constant 0 : i32
        %dma_wait3A_454 = tpu.memref_slice %arg11[%run_scoped3A_346, %dma_wait3A_453] : memref<1x80xi32, #tpu.memory_space<vmem>> -> memref<1x80xi32, #tpu.memory_space<vmem>>
        %dma_wait3A_455 = tpu.memref_squeeze %dma_wait3A_454 : memref<1x80xi32, #tpu.memory_space<vmem>> -> memref<80xi32, #tpu.memory_space<vmem>>
        %dma_wait3A_456 = tpu.memref_slice %arg5[%add3A_324] : memref<320000xi32, #tpu.memory_space<hbm>> -> memref<80xi32, #tpu.memory_space<hbm>>
        tpu.wait_dma2 semaphore(%run_scoped3A_440 : memref<!tpu.dma_semaphore, #tpu.memory_space<semaphore_mem>>) src(%dma_wait3A_456 : memref<80xi32, #tpu.memory_space<hbm>>) dst(%dma_wait3A_455 : memref<80xi32, #tpu.memory_space<vmem>>)
        tpu.yield
      }) : () -> ()
      %get3A_347 = arith.constant 0 : i32
      %get3A_348 = arith.index_cast %get3A_347 : i32 to index
      %get3A_349 = arith.constant 0 : index
      %get3A_350 = tpu.vector_load %arg11[%get3A_348, %get3A_349] {strides = array<i32>} : memref<1x80xi32, #tpu.memory_space<vmem>>, vector<1x16xi32>,
      %get3A_351 = vector.shape_cast %get3A_350 : vector<1x16xi32> to vector<16xi32>
      %shift_right_arithmetic3A_352 = arith.constant 1 : i32
      %shift_right_arithmetic3A_353 = vector.broadcast %shift_right_arithmetic3A_352 : i32 to vector<16xi32>
      %shift_right_arithmetic3A_354 = arith.shrsi %get3A_351, %shift_right_arithmetic3A_353 : vector<16xi32>
      %swap3A_355 = arith.constant 0 : i32
      %swap3A_356 = arith.index_cast %swap3A_355 : i32 to index
      %swap3A_357 = arith.constant 0 : index
      %swap3A_358 = tpu.vector_load %arg11[%swap3A_356, %swap3A_357] {strides = array<i32>} : memref<1x80xi32, #tpu.memory_space<vmem>>, vector<1x16xi32>,
      %swap3A_359 = vector.shape_cast %swap3A_358 : vector<1x16xi32> to vector<16xi32>
      %swap3A_360 = vector.shape_cast %shift_right_arithmetic3A_354 : vector<16xi32> to vector<1x16xi32>
      tpu.vector_store %arg11[%swap3A_356, %swap3A_357], %swap3A_360 {strides = array<i32>} : memref<1x80xi32, #tpu.memory_space<vmem>>, vector<1x16xi32>,
      %get3A_361 = arith.constant 0 : i32
      %get3A_362 = arith.index_cast %get3A_361 : i32 to index
      %get3A_363 = arith.constant 16 : index
      %get3A_364 = tpu.vector_load %arg11[%get3A_362, %get3A_363] {strides = array<i32>} : memref<1x80xi32, #tpu.memory_space<vmem>>, vector<1x16xi32>,
      %get3A_365 = vector.shape_cast %get3A_364 : vector<1x16xi32> to vector<16xi32>
      %shift_right_arithmetic3A_366 = arith.constant 1 : i32
      %shift_right_arithmetic3A_367 = vector.broadcast %shift_right_arithmetic3A_366 : i32 to vector<16xi32>
      %shift_right_arithmetic3A_368 = arith.shrsi %get3A_365, %shift_right_arithmetic3A_367 : vector<16xi32>
      %swap3A_369 = arith.constant 0 : i32
      %swap3A_370 = arith.index_cast %swap3A_369 : i32 to index
      %swap3A_371 = arith.constant 16 : index
      %swap3A_372 = tpu.vector_load %arg11[%swap3A_370, %swap3A_371] {strides = array<i32>} : memref<1x80xi32, #tpu.memory_space<vmem>>, vector<1x16xi32>,
      %swap3A_373 = vector.shape_cast %swap3A_372 : vector<1x16xi32> to vector<16xi32>
      %swap3A_374 = vector.shape_cast %shift_right_arithmetic3A_368 : vector<16xi32> to vector<1x16xi32>
      tpu.vector_store %arg11[%swap3A_370, %swap3A_371], %swap3A_374 {strides = array<i32>} : memref<1x80xi32, #tpu.memory_space<vmem>>, vector<1x16xi32>,
      %get3A_375 = arith.constant 0 : i32
      %get3A_376 = arith.index_cast %get3A_375 : i32 to index
      %get3A_377 = arith.constant 32 : index
      %get3A_378 = tpu.vector_load %arg11[%get3A_376, %get3A_377] {strides = array<i32>} : memref<1x80xi32, #tpu.memory_space<vmem>>, vector<1x16xi32>,
      %get3A_379 = vector.shape_cast %get3A_378 : vector<1x16xi32> to vector<16xi32>
      %shift_right_arithmetic3A_380 = arith.constant 1 : i32
      %shift_right_arithmetic3A_381 = vector.broadcast %shift_right_arithmetic3A_380 : i32 to vector<16xi32>
      %shift_right_arithmetic3A_382 = arith.shrsi %get3A_379, %shift_right_arithmetic3A_381 : vector<16xi32>
      %swap3A_383 = arith.constant 0 : i32
      %swap3A_384 = arith.index_cast %swap3A_383 : i32 to index
      %swap3A_385 = arith.constant 32 : index
      %swap3A_386 = tpu.vector_load %arg11[%swap3A_384, %swap3A_385] {strides = array<i32>} : memref<1x80xi32, #tpu.memory_space<vmem>>, vector<1x16xi32>,
      %swap3A_387 = vector.shape_cast %swap3A_386 : vector<1x16xi32> to vector<16xi32>
      %swap3A_388 = vector.shape_cast %shift_right_arithmetic3A_382 : vector<16xi32> to vector<1x16xi32>
      tpu.vector_store %arg11[%swap3A_384, %swap3A_385], %swap3A_388 {strides = array<i32>} : memref<1x80xi32, #tpu.memory_space<vmem>>, vector<1x16xi32>,
      %get3A_389 = arith.constant 0 : i32
      %get3A_390 = arith.index_cast %get3A_389 : i32 to index
      %get3A_391 = arith.constant 48 : index
      %get3A_392 = tpu.vector_load %arg11[%get3A_390, %get3A_391] {strides = array<i32>} : memref<1x80xi32, #tpu.memory_space<vmem>>, vector<1x16xi32>,
      %get3A_393 = vector.shape_cast %get3A_392 : vector<1x16xi32> to vector<16xi32>
      %shift_right_arithmetic3A_394 = arith.constant 1 : i32
      %shift_right_arithmetic3A_395 = vector.broadcast %shift_right_arithmetic3A_394 : i32 to vector<16xi32>
      %shift_right_arithmetic3A_396 = arith.shrsi %get3A_393, %shift_right_arithmetic3A_395 : vector<16xi32>
      %swap3A_397 = arith.constant 0 : i32
      %swap3A_398 = arith.index_cast %swap3A_397 : i32 to index
      %swap3A_399 = arith.constant 48 : index
      %swap3A_400 = tpu.vector_load %arg11[%swap3A_398, %swap3A_399] {strides = array<i32>} : memref<1x80xi32, #tpu.memory_space<vmem>>, vector<1x16xi32>,
      %swap3A_401 = vector.shape_cast %swap3A_400 : vector<1x16xi32> to vector<16xi32>
      %swap3A_402 = vector.shape_cast %shift_right_arithmetic3A_396 : vector<16xi32> to vector<1x16xi32>
      tpu.vector_store %arg11[%swap3A_398, %swap3A_399], %swap3A_402 {strides = array<i32>} : memref<1x80xi32, #tpu.memory_space<vmem>>, vector<1x16xi32>,
      %get3A_403 = arith.constant 0 : i32
      %get3A_404 = arith.index_cast %get3A_403 : i32 to index
      %get3A_405 = arith.constant 64 : index
      %get3A_406 = tpu.vector_load %arg11[%get3A_404, %get3A_405] {strides = array<i32>} : memref<1x80xi32, #tpu.memory_space<vmem>>, vector<1x16xi32>,
      %get3A_407 = vector.shape_cast %get3A_406 : vector<1x16xi32> to vector<16xi32>
      %shift_right_arithmetic3A_408 = arith.constant 1 : i32
      %shift_right_arithmetic3A_409 = vector.broadcast %shift_right_arithmetic3A_408 : i32 to vector<16xi32>
      %shift_right_arithmetic3A_410 = arith.shrsi %get3A_407, %shift_right_arithmetic3A_409 : vector<16xi32>
      %swap3A_411 = arith.constant 0 : i32
      %swap3A_412 = arith.index_cast %swap3A_411 : i32 to index
      %swap3A_413 = arith.constant 64 : index
      %swap3A_414 = tpu.vector_load %arg11[%swap3A_412, %swap3A_413] {strides = array<i32>} : memref<1x80xi32, #tpu.memory_space<vmem>>, vector<1x16xi32>,
      %swap3A_415 = vector.shape_cast %swap3A_414 : vector<1x16xi32> to vector<16xi32>
      %swap3A_416 = vector.shape_cast %shift_right_arithmetic3A_410 : vector<16xi32> to vector<1x16xi32>
      tpu.vector_store %arg11[%swap3A_412, %swap3A_413], %swap3A_416 {strides = array<i32>} : memref<1x80xi32, #tpu.memory_space<vmem>>, vector<1x16xi32>,
      %dma_wait3A_417 = arith.constant 0 : i32
      %dma_wait3A_418 = arith.constant 0 : i32
      %dma_wait3A_419 = tpu.memref_slice %arg6[%dma_wait3A_417, %dma_wait3A_418] : memref<10000x128xf32, #tpu.memory_space<hbm>> -> memref<10000x128xf32, #tpu.memory_space<hbm>>
      tpu.wait_indirect_dma semaphore(%arg25 : memref<!tpu.dma_semaphore, #tpu.memory_space<semaphore_mem>>) src(%dma_wait3A_419 : memref<10000x128xf32, #tpu.memory_space<hbm>>) dst(%arg17 : memref<80x128xf32, #tpu.memory_space<vmem>>)
      %scan3A_420 = arith.constant 0 : i32
      %scan3A_421 = arith.constant 0 : i32
      %scan3A_422 = arith.constant 80 : i32
      %scan3A_423 = arith.addi %scan3A_421, %scan3A_422 : i32
      %scan3A_424 = arith.constant 1 : i32
      scf.for %scan3A_440 = %scan3A_421 to %scan3A_423 step %scan3A_424  : i32 {
        %mul3A_441 = arith.constant 16 : i32
        %mul3A_442 = arith.muli %scan3A_440, %mul3A_441 : i32
        %get3A_443 = arith.index_cast %mul3A_442 : i32 to index
        %get3A_444 = tpu.vector_load %arg15[%get3A_443] {strides = array<i32>} : memref<1280xf32, #tpu.memory_space<vmem>>, vector<16xf32>,
        %get3A_445 = vector.shape_cast %get3A_444 : vector<16xf32> to vector<16xf32>
        %sub3A = arith.subf %broadcast_in_dim3A_49, %get3A_445 : vector<16xf32>
        %mul3A_446 = arith.constant 128 : i32
        %mul3A_447 = arith.muli %scan3A_440, %mul3A_446 : i32
        %add3A_448 = arith.addi %mul3A_447, %mul3A_47 : i32
        %add3A_449 = arith.constant 0 : i32
        %add3A_450 = arith.addi %add3A_448, %add3A_449 : i32
        %get3A_451 = arith.index_cast %add3A_450 : i32 to index
        %get3A_452 = tpu.vector_load %arg13[%get3A_451] {strides = array<i32>} : memref<10240xf32, #tpu.memory_space<vmem>>, vector<16xf32>,
        %get3A_453 = vector.shape_cast %get3A_452 : vector<16xf32> to vector<16xf32>
        %add3A_454 = arith.constant 0 : i32
        %add3A_455 = arith.addi %mul3A_47, %add3A_454 : i32
        %get3A_456 = arith.index_cast %scan3A_440 : i32 to index
        %get3A_457 = arith.index_cast %add3A_455 : i32 to index
        %get3A_458 = tpu.vector_load %arg17[%get3A_456, %get3A_457] {strides = array<i32>} : memref<80x128xf32, #tpu.memory_space<vmem>>, vector<1x16xf32>,
        %get3A_459 = vector.shape_cast %get3A_458 : vector<1x16xf32> to vector<16xf32>
        %mul3A_460 = arith.mulf %get3A_453, %get3A_459 : vector<16xf32>
        %mul3A_461 = arith.mulf %mul3A_460, %sub3A : vector<16xf32>
        %swap3A_462 = arith.index_cast %scan3A_440 : i32 to index
        %swap3A_463 = arith.constant 0 : index
        %swap3A_464 = tpu.vector_load %arg19[%swap3A_462, %swap3A_463] {strides = array<i32>} : memref<80x128xf32, #tpu.memory_space<vmem>>, vector<1x16xf32>,
        %swap3A_465 = vector.shape_cast %swap3A_464 : vector<1x16xf32> to vector<16xf32>
        %swap3A_466 = vector.shape_cast %mul3A_461 : vector<16xf32> to vector<1x16xf32>
        tpu.vector_store %arg19[%swap3A_462, %swap3A_463], %swap3A_466 {strides = array<i32>} : memref<80x128xf32, #tpu.memory_space<vmem>>, vector<1x16xf32>,
        %mul3A_467 = arith.mulf %mul3A_460, %get3A_445 : vector<16xf32>
        %swap3A_468 = arith.index_cast %scan3A_440 : i32 to index
        %swap3A_469 = arith.constant 64 : index
        %swap3A_470 = tpu.vector_load %arg19[%swap3A_468, %swap3A_469] {strides = array<i32>} : memref<80x128xf32, #tpu.memory_space<vmem>>, vector<1x16xf32>,
        %swap3A_471 = vector.shape_cast %swap3A_470 : vector<1x16xf32> to vector<16xf32>
        %swap3A_472 = vector.shape_cast %mul3A_467 : vector<16xf32> to vector<1x16xf32>
        tpu.vector_store %arg19[%swap3A_468, %swap3A_469], %swap3A_472 {strides = array<i32>} : memref<80x128xf32, #tpu.memory_space<vmem>>, vector<1x16xf32>,
        %mul3A_473 = arith.constant 128 : i32
        %mul3A_474 = arith.muli %scan3A_440, %mul3A_473 : i32
        %add3A_475 = arith.addi %mul3A_474, %mul3A_47 : i32
        %add3A_476 = arith.constant 16 : i32
        %add3A_477 = arith.addi %add3A_475, %add3A_476 : i32
        %get3A_478 = arith.index_cast %add3A_477 : i32 to index
        %get3A_479 = tpu.vector_load %arg13[%get3A_478] {strides = array<i32>} : memref<10240xf32, #tpu.memory_space<vmem>>, vector<16xf32>,
        %get3A_480 = vector.shape_cast %get3A_479 : vector<16xf32> to vector<16xf32>
        %add3A_481 = arith.constant 16 : i32
        %add3A_482 = arith.addi %mul3A_47, %add3A_481 : i32
        %get3A_483 = arith.index_cast %scan3A_440 : i32 to index
        %get3A_484 = arith.index_cast %add3A_482 : i32 to index
        %get3A_485 = tpu.vector_load %arg17[%get3A_483, %get3A_484] {strides = array<i32>} : memref<80x128xf32, #tpu.memory_space<vmem>>, vector<1x16xf32>,
        %get3A_486 = vector.shape_cast %get3A_485 : vector<1x16xf32> to vector<16xf32>
        %mul3A_487 = arith.mulf %get3A_480, %get3A_486 : vector<16xf32>
        %mul3A_488 = arith.mulf %mul3A_487, %sub3A : vector<16xf32>
        %swap3A_489 = arith.index_cast %scan3A_440 : i32 to index
        %swap3A_490 = arith.constant 16 : index
        %swap3A_491 = tpu.vector_load %arg19[%swap3A_489, %swap3A_490] {strides = array<i32>} : memref<80x128xf32, #tpu.memory_space<vmem>>, vector<1x16xf32>,
        %swap3A_492 = vector.shape_cast %swap3A_491 : vector<1x16xf32> to vector<16xf32>
        %swap3A_493 = vector.shape_cast %mul3A_488 : vector<16xf32> to vector<1x16xf32>
        tpu.vector_store %arg19[%swap3A_489, %swap3A_490], %swap3A_493 {strides = array<i32>} : memref<80x128xf32, #tpu.memory_space<vmem>>, vector<1x16xf32>,
        %mul3A_494 = arith.mulf %mul3A_487, %get3A_445 : vector<16xf32>
        %swap3A_495 = arith.index_cast %scan3A_440 : i32 to index
        %swap3A_496 = arith.constant 80 : index
        %swap3A_497 = tpu.vector_load %arg19[%swap3A_495, %swap3A_496] {strides = array<i32>} : memref<80x128xf32, #tpu.memory_space<vmem>>, vector<1x16xf32>,
        %swap3A_498 = vector.shape_cast %swap3A_497 : vector<1x16xf32> to vector<16xf32>
        %swap3A_499 = vector.shape_cast %mul3A_494 : vector<16xf32> to vector<1x16xf32>
        tpu.vector_store %arg19[%swap3A_495, %swap3A_496], %swap3A_499 {strides = array<i32>} : memref<80x128xf32, #tpu.memory_space<vmem>>, vector<1x16xf32>,
        %mul3A_500 = arith.constant 128 : i32
        %mul3A_501 = arith.muli %scan3A_440, %mul3A_500 : i32
        %add3A_502 = arith.addi %mul3A_501, %mul3A_47 : i32
        %add3A_503 = arith.constant 32 : i32
        %add3A_504 = arith.addi %add3A_502, %add3A_503 : i32
        %get3A_505 = arith.index_cast %add3A_504 : i32 to index
        %get3A_506 = tpu.vector_load %arg13[%get3A_505] {strides = array<i32>} : memref<10240xf32, #tpu.memory_space<vmem>>, vector<16xf32>,
        %get3A_507 = vector.shape_cast %get3A_506 : vector<16xf32> to vector<16xf32>
        %add3A_508 = arith.constant 32 : i32
        %add3A_509 = arith.addi %mul3A_47, %add3A_508 : i32
        %get3A_510 = arith.index_cast %scan3A_440 : i32 to index
        %get3A_511 = arith.index_cast %add3A_509 : i32 to index
        %get3A_512 = tpu.vector_load %arg17[%get3A_510, %get3A_511] {strides = array<i32>} : memref<80x128xf32, #tpu.memory_space<vmem>>, vector<1x16xf32>,
        %get3A_513 = vector.shape_cast %get3A_512 : vector<1x16xf32> to vector<16xf32>
        %mul3A_514 = arith.mulf %get3A_507, %get3A_513 : vector<16xf32>
        %mul3A_515 = arith.mulf %mul3A_514, %sub3A : vector<16xf32>
        %swap3A_516 = arith.index_cast %scan3A_440 : i32 to index
        %swap3A_517 = arith.constant 32 : index
        %swap3A_518 = tpu.vector_load %arg19[%swap3A_516, %swap3A_517] {strides = array<i32>} : memref<80x128xf32, #tpu.memory_space<vmem>>, vector<1x16xf32>,
        %swap3A_519 = vector.shape_cast %swap3A_518 : vector<1x16xf32> to vector<16xf32>
        %swap3A_520 = vector.shape_cast %mul3A_515 : vector<16xf32> to vector<1x16xf32>
        tpu.vector_store %arg19[%swap3A_516, %swap3A_517], %swap3A_520 {strides = array<i32>} : memref<80x128xf32, #tpu.memory_space<vmem>>, vector<1x16xf32>,
        %mul3A_521 = arith.mulf %mul3A_514, %get3A_445 : vector<16xf32>
        %swap3A_522 = arith.index_cast %scan3A_440 : i32 to index
        %swap3A_523 = arith.constant 96 : index
        %swap3A_524 = tpu.vector_load %arg19[%swap3A_522, %swap3A_523] {strides = array<i32>} : memref<80x128xf32, #tpu.memory_space<vmem>>, vector<1x16xf32>,
        %swap3A_525 = vector.shape_cast %swap3A_524 : vector<1x16xf32> to vector<16xf32>
        %swap3A_526 = vector.shape_cast %mul3A_521 : vector<16xf32> to vector<1x16xf32>
        tpu.vector_store %arg19[%swap3A_522, %swap3A_523], %swap3A_526 {strides = array<i32>} : memref<80x128xf32, #tpu.memory_space<vmem>>, vector<1x16xf32>,
        %mul3A_527 = arith.constant 128 : i32
        %mul3A_528 = arith.muli %scan3A_440, %mul3A_527 : i32
        %add3A_529 = arith.addi %mul3A_528, %mul3A_47 : i32
        %add3A_530 = arith.constant 48 : i32
        %add3A_531 = arith.addi %add3A_529, %add3A_530 : i32
        %get3A_532 = arith.index_cast %add3A_531 : i32 to index
        %get3A_533 = tpu.vector_load %arg13[%get3A_532] {strides = array<i32>} : memref<10240xf32, #tpu.memory_space<vmem>>, vector<16xf32>,
        %get3A_534 = vector.shape_cast %get3A_533 : vector<16xf32> to vector<16xf32>
        %add3A_535 = arith.constant 48 : i32
        %add3A_536 = arith.addi %mul3A_47, %add3A_535 : i32
        %get3A_537 = arith.index_cast %scan3A_440 : i32 to index
        %get3A_538 = arith.index_cast %add3A_536 : i32 to index
        %get3A_539 = tpu.vector_load %arg17[%get3A_537, %get3A_538] {strides = array<i32>} : memref<80x128xf32, #tpu.memory_space<vmem>>, vector<1x16xf32>,
        %get3A_540 = vector.shape_cast %get3A_539 : vector<1x16xf32> to vector<16xf32>
        %mul3A_541 = arith.mulf %get3A_534, %get3A_540 : vector<16xf32>
        %mul3A_542 = arith.mulf %mul3A_541, %sub3A : vector<16xf32>
        %swap3A_543 = arith.index_cast %scan3A_440 : i32 to index
        %swap3A_544 = arith.constant 48 : index
        %swap3A_545 = tpu.vector_load %arg19[%swap3A_543, %swap3A_544] {strides = array<i32>} : memref<80x128xf32, #tpu.memory_space<vmem>>, vector<1x16xf32>,
        %swap3A_546 = vector.shape_cast %swap3A_545 : vector<1x16xf32> to vector<16xf32>
        %swap3A_547 = vector.shape_cast %mul3A_542 : vector<16xf32> to vector<1x16xf32>
        tpu.vector_store %arg19[%swap3A_543, %swap3A_544], %swap3A_547 {strides = array<i32>} : memref<80x128xf32, #tpu.memory_space<vmem>>, vector<1x16xf32>,
        %mul3A_548 = arith.mulf %mul3A_541, %get3A_445 : vector<16xf32>
        %swap3A_549 = arith.index_cast %scan3A_440 : i32 to index
        %swap3A_550 = arith.constant 112 : index
        %swap3A_551 = tpu.vector_load %arg19[%swap3A_549, %swap3A_550] {strides = array<i32>} : memref<80x128xf32, #tpu.memory_space<vmem>>, vector<1x16xf32>,
        %swap3A_552 = vector.shape_cast %swap3A_551 : vector<1x16xf32> to vector<16xf32>
        %swap3A_553 = vector.shape_cast %mul3A_548 : vector<16xf32> to vector<1x16xf32>
        tpu.vector_store %arg19[%swap3A_549, %swap3A_550], %swap3A_553 {strides = array<i32>} : memref<80x128xf32, #tpu.memory_space<vmem>>, vector<1x16xf32>,
      }
      %scan3A_425 = arith.constant 80 : i32
      %dma_start3A_426 = arith.constant 0 : i32
      %dma_start3A_427 = arith.constant 0 : i32
      %dma_start3A_428 = tpu.memref_slice %arg11[%dma_start3A_426, %dma_start3A_427] : memref<1x80xi32, #tpu.memory_space<vmem>> -> memref<1x80xi32, #tpu.memory_space<vmem>>
      %dma_start3A_429 = tpu.memref_squeeze %dma_start3A_428 : memref<1x80xi32, #tpu.memory_space<vmem>> -> memref<80xi32, #tpu.memory_space<vmem>>
      %dma_start3A_430 = arith.constant 0 : i32
      %dma_start3A_431 = arith.constant 0 : i32
      %dma_start3A_432 = tpu.memref_slice %arg21[%dma_start3A_430, %dma_start3A_431] : memref<5120x128xf32, #tpu.memory_space<vmem_shared>> -> memref<5120x128xf32, #tpu.memory_space<vmem_shared>>
      tpu.enqueue_indirect_dma source(%arg19 : memref<80x128xf32, #tpu.memory_space<vmem>>) target(%dma_start3A_432 : memref<5120x128xf32, #tpu.memory_space<vmem_shared>>) offsets(%dma_start3A_429 : memref<80xi32, #tpu.memory_space<vmem>>) semaphore(%arg27 : memref<!tpu.dma_semaphore, #tpu.memory_space<semaphore_mem>>) {add = true}
      %add3A_433 = arith.constant 2 : i32
      %add3A_434 = arith.addi %add3A_321, %add3A_433 : i32
      %lt3A_435 = arith.constant 250 : i32
      %lt3A_436 = arith.cmpi slt, %add3A_434, %lt3A_435 : i32
      %convert_element_type3A_437 = arith.extui %lt3A_436 : i1 to i32
      %cond3A_438 = arith.constant 0 : i32
      %cond3A_439 = arith.cmpi ne, %convert_element_type3A_437, %cond3A_438 : i32
      scf.if %cond3A_439 {
        %add3A_440 = arith.constant 2 : i32
        %add3A_441 = arith.addi %add3A_321, %add3A_440 : i32
        %mul3A_442 = arith.constant 80 : i32
        %mul3A_443 = arith.muli %add3A_441, %mul3A_442 : i32
        %add3A_444 = arith.addi %mul3A_45, %mul3A_443 : i32
        %mul3A_445 = arith.constant 128 : i32
        %mul3A_446 = arith.muli %add3A_444, %mul3A_445 : i32
        %mul3A_447 = arith.constant 16 : i32
        %mul3A_448 = arith.muli %add3A_444, %mul3A_447 : i32
        %dma_start3A_449 = tpu.memref_slice %arg4[%add3A_444] : memref<320000xi32, #tpu.memory_space<hbm>> -> memref<80xi32, #tpu.memory_space<hbm>>
        %dma_start3A_450 = tpu.memref_slice %arg4[%add3A_444] : memref<320000xi32, #tpu.memory_space<hbm>> -> memref<80xi32, #tpu.memory_space<hbm>>
        tpu.enqueue_dma source(%dma_start3A_450 : memref<80xi32, #tpu.memory_space<hbm>>) target(%arg9 : memref<80xi32, #tpu.memory_space<vmem>>) target_semaphore(%arg23 : memref<!tpu.dma_semaphore, #tpu.memory_space<semaphore_mem>>)
        %dma_start3A_451 = tpu.memref_slice %arg2[%mul3A_446] : memref<40960000xf32, #tpu.memory_space<hbm>> -> memref<10240xf32, #tpu.memory_space<hbm>>
        %dma_start3A_452 = tpu.memref_slice %arg2[%mul3A_446] : memref<40960000xf32, #tpu.memory_space<hbm>> -> memref<10240xf32, #tpu.memory_space<hbm>>
        tpu.enqueue_dma source(%dma_start3A_452 : memref<10240xf32, #tpu.memory_space<hbm>>) target(%arg13 : memref<10240xf32, #tpu.memory_space<vmem>>) target_semaphore(%arg23 : memref<!tpu.dma_semaphore, #tpu.memory_space<semaphore_mem>>)
        %dma_start3A_453 = tpu.memref_slice %arg3[%mul3A_448] : memref<5120000xf32, #tpu.memory_space<hbm>> -> memref<1280xf32, #tpu.memory_space<hbm>>
        %dma_start3A_454 = tpu.memref_slice %arg3[%mul3A_448] : memref<5120000xf32, #tpu.memory_space<hbm>> -> memref<1280xf32, #tpu.memory_space<hbm>>
        tpu.enqueue_dma source(%dma_start3A_454 : memref<1280xf32, #tpu.memory_space<hbm>>) target(%arg15 : memref<1280xf32, #tpu.memory_space<vmem>>) target_semaphore(%arg23 : memref<!tpu.dma_semaphore, #tpu.memory_space<semaphore_mem>>)
      } else {
      }
    }
    %scan3A_78 = arith.constant 125 : i32
    %dma_wait3A = arith.constant 0 : i32
    %dma_wait3A_79 = arith.constant 0 : i32
    %dma_wait3A_80 = tpu.memref_slice %arg10[%dma_wait3A, %dma_wait3A_79] : memref<1x80xi32, #tpu.memory_space<vmem>> -> memref<1x80xi32, #tpu.memory_space<vmem>>
    %dma_wait3A_81 = tpu.memref_squeeze %dma_wait3A_80 : memref<1x80xi32, #tpu.memory_space<vmem>> -> memref<80xi32, #tpu.memory_space<vmem>>
    %dma_wait3A_82 = arith.constant 0 : i32
    %dma_wait3A_83 = arith.constant 0 : i32
    %dma_wait3A_84 = tpu.memref_slice %arg21[%dma_wait3A_82, %dma_wait3A_83] : memref<5120x128xf32, #tpu.memory_space<vmem_shared>> -> memref<5120x128xf32, #tpu.memory_space<vmem_shared>>
    tpu.wait_indirect_dma semaphore(%arg26 : memref<!tpu.dma_semaphore, #tpu.memory_space<semaphore_mem>>) src(%arg18 : memref<80x128xf32, #tpu.memory_space<vmem>>) dst(%dma_wait3A_84 : memref<5120x128xf32, #tpu.memory_space<vmem_shared>>)
    %dma_wait3A_85 = arith.constant 0 : i32
    %dma_wait3A_86 = arith.constant 0 : i32
    %dma_wait3A_87 = tpu.memref_slice %arg11[%dma_wait3A_85, %dma_wait3A_86] : memref<1x80xi32, #tpu.memory_space<vmem>> -> memref<1x80xi32, #tpu.memory_space<vmem>>
    %dma_wait3A_88 = tpu.memref_squeeze %dma_wait3A_87 : memref<1x80xi32, #tpu.memory_space<vmem>> -> memref<80xi32, #tpu.memory_space<vmem>>
    %dma_wait3A_89 = arith.constant 0 : i32
    %dma_wait3A_90 = arith.constant 0 : i32
    %dma_wait3A_91 = tpu.memref_slice %arg21[%dma_wait3A_89, %dma_wait3A_90] : memref<5120x128xf32, #tpu.memory_space<vmem_shared>> -> memref<5120x128xf32, #tpu.memory_space<vmem_shared>>
    tpu.wait_indirect_dma semaphore(%arg27 : memref<!tpu.dma_semaphore, #tpu.memory_space<semaphore_mem>>) src(%arg19 : memref<80x128xf32, #tpu.memory_space<vmem>>) dst(%dma_wait3A_91 : memref<5120x128xf32, #tpu.memory_space<vmem_shared>>)
    %barrier3A_92 = arith.constant 0 : index
    tpu.barrier barrier_id(%barrier3A_92)
    %mul3A_93 = arith.constant 320 : i32
    %mul3A_94 = arith.muli %arg1, %mul3A_93 : i32
    %add3A_95 = arith.constant 0 : i32
    %add3A_96 = arith.addi %mul3A_94, %add3A_95 : i32
    "tpu.region"() ({
      %run_scoped3A = tpu.sem_alloc : memref<!tpu.dma_semaphore, #tpu.memory_space<semaphore_mem>>
      %dma_start3A_203 = arith.constant 0 : i32
      %dma_start3A_204 = tpu.memref_slice %arg21[%add3A_96, %dma_start3A_203] : memref<5120x128xf32, #tpu.memory_space<vmem_shared>> -> memref<32x128xf32, #tpu.memory_space<vmem_shared>>
      %dma_start3A_205 = arith.constant 0 : i32
      %dma_start3A_206 = tpu.memref_slice %arg21[%add3A_96, %dma_start3A_205] : memref<5120x128xf32, #tpu.memory_space<vmem_shared>> -> memref<32x128xf32, #tpu.memory_space<vmem_shared>>
      tpu.enqueue_dma source(%dma_start3A_206 : memref<32x128xf32, #tpu.memory_space<vmem_shared>>) target(%arg20 : memref<32x128xf32, #tpu.memory_space<vmem>>) target_semaphore(%run_scoped3A : memref<!tpu.dma_semaphore, #tpu.memory_space<semaphore_mem>>)
      %dma_wait3A_207 = arith.constant 0 : i32
      %dma_wait3A_208 = tpu.memref_slice %arg21[%add3A_96, %dma_wait3A_207] : memref<5120x128xf32, #tpu.memory_space<vmem_shared>> -> memref<32x128xf32, #tpu.memory_space<vmem_shared>>
      %dma_wait3A_209 = arith.constant 0 : i32
      %dma_wait3A_210 = tpu.memref_slice %arg21[%add3A_96, %dma_wait3A_209] : memref<5120x128xf32, #tpu.memory_space<vmem_shared>> -> memref<32x128xf32, #tpu.memory_space<vmem_shared>>
      tpu.wait_dma2 semaphore(%run_scoped3A : memref<!tpu.dma_semaphore, #tpu.memory_space<semaphore_mem>>) src(%dma_wait3A_210 : memref<32x128xf32, #tpu.memory_space<vmem_shared>>) dst(%arg20 : memref<32x128xf32, #tpu.memory_space<vmem>>)
      tpu.yield
    }) : () -> ()
    %mul3A_97 = arith.constant 5120 : i32
    %mul3A_98 = arith.muli %arg0, %mul3A_97 : i32
    %mul3A_99 = arith.constant 320 : i32
    %mul3A_100 = arith.muli %arg1, %mul3A_99 : i32
    %add3A_101 = arith.addi %mul3A_98, %mul3A_100 : i32
    %add3A_102 = arith.constant 0 : i32
    %add3A_103 = arith.addi %add3A_101, %add3A_102 : i32
    "tpu.region"() ({
      %run_scoped3A = tpu.sem_alloc : memref<!tpu.dma_semaphore, #tpu.memory_space<semaphore_mem>>
      %dma_start3A_203 = arith.constant 0 : i32
      %dma_start3A_204 = tpu.memref_slice %arg7[%add3A_103, %dma_start3A_203] : memref<10240x128xf32, #tpu.memory_space<hbm>> -> memref<32x128xf32, #tpu.memory_space<hbm>>
      %dma_start3A_205 = arith.constant 0 : i32
      %dma_start3A_206 = tpu.memref_slice %arg7[%add3A_103, %dma_start3A_205] : memref<10240x128xf32, #tpu.memory_space<hbm>> -> memref<32x128xf32, #tpu.memory_space<hbm>>
      tpu.enqueue_dma source(%arg20 : memref<32x128xf32, #tpu.memory_space<vmem>>) target(%dma_start3A_206 : memref<32x128xf32, #tpu.memory_space<hbm>>) target_semaphore(%run_scoped3A : memref<!tpu.dma_semaphore, #tpu.memory_space<semaphore_mem>>)
      %dma_wait3A_207 = arith.constant 0 : i32
      %dma_wait3A_208 = tpu.memref_slice %arg7[%add3A_103, %dma_wait3A_207] : memref<10240x128xf32, #tpu.memory_space<hbm>> -> memref<32x128xf32, #tpu.memory_space<hbm>>
      %dma_wait3A_209 = arith.constant 0 : i32
      %dma_wait3A_210 = tpu.memref_slice %arg7[%add3A_103, %dma_wait3A_209] : memref<10240x128xf32, #tpu.memory_space<hbm>> -> memref<32x128xf32, #tpu.memory_space<hbm>>
      tpu.wait_dma2 semaphore(%run_scoped3A : memref<!tpu.dma_semaphore, #tpu.memory_space<semaphore_mem>>) src(%arg20 : memref<32x128xf32, #tpu.memory_space<vmem>>) dst(%dma_wait3A_210 : memref<32x128xf32, #tpu.memory_space<hbm>>)
      tpu.yield
    }) : () -> ()
    %mul3A_104 = arith.constant 320 : i32
    %mul3A_105 = arith.muli %arg1, %mul3A_104 : i32
    %add3A_106 = arith.constant 32 : i32
    %add3A_107 = arith.addi %mul3A_105, %add3A_106 : i32
    "tpu.region"() ({
      %run_scoped3A = tpu.sem_alloc : memref<!tpu.dma_semaphore, #tpu.memory_space<semaphore_mem>>
      %dma_start3A_203 = arith.constant 0 : i32
      %dma_start3A_204 = tpu.memref_slice %arg21[%add3A_107, %dma_start3A_203] : memref<5120x128xf32, #tpu.memory_space<vmem_shared>> -> memref<32x128xf32, #tpu.memory_space<vmem_shared>>
      %dma_start3A_205 = arith.constant 0 : i32
      %dma_start3A_206 = tpu.memref_slice %arg21[%add3A_107, %dma_start3A_205] : memref<5120x128xf32, #tpu.memory_space<vmem_shared>> -> memref<32x128xf32, #tpu.memory_space<vmem_shared>>
      tpu.enqueue_dma source(%dma_start3A_206 : memref<32x128xf32, #tpu.memory_space<vmem_shared>>) target(%arg20 : memref<32x128xf32, #tpu.memory_space<vmem>>) target_semaphore(%run_scoped3A : memref<!tpu.dma_semaphore, #tpu.memory_space<semaphore_mem>>)
      %dma_wait3A_207 = arith.constant 0 : i32
      %dma_wait3A_208 = tpu.memref_slice %arg21[%add3A_107, %dma_wait3A_207] : memref<5120x128xf32, #tpu.memory_space<vmem_shared>> -> memref<32x128xf32, #tpu.memory_space<vmem_shared>>
      %dma_wait3A_209 = arith.constant 0 : i32
      %dma_wait3A_210 = tpu.memref_slice %arg21[%add3A_107, %dma_wait3A_209] : memref<5120x128xf32, #tpu.memory_space<vmem_shared>> -> memref<32x128xf32, #tpu.memory_space<vmem_shared>>
      tpu.wait_dma2 semaphore(%run_scoped3A : memref<!tpu.dma_semaphore, #tpu.memory_space<semaphore_mem>>) src(%dma_wait3A_210 : memref<32x128xf32, #tpu.memory_space<vmem_shared>>) dst(%arg20 : memref<32x128xf32, #tpu.memory_space<vmem>>)
      tpu.yield
    }) : () -> ()
    %mul3A_108 = arith.constant 5120 : i32
    %mul3A_109 = arith.muli %arg0, %mul3A_108 : i32
    %mul3A_110 = arith.constant 320 : i32
    %mul3A_111 = arith.muli %arg1, %mul3A_110 : i32
    %add3A_112 = arith.addi %mul3A_109, %mul3A_111 : i32
    %add3A_113 = arith.constant 32 : i32
    %add3A_114 = arith.addi %add3A_112, %add3A_113 : i32
    "tpu.region"() ({
      %run_scoped3A = tpu.sem_alloc : memref<!tpu.dma_semaphore, #tpu.memory_space<semaphore_mem>>
      %dma_start3A_203 = arith.constant 0 : i32
      %dma_start3A_204 = tpu.memref_slice %arg7[%add3A_114, %dma_start3A_203] : memref<10240x128xf32, #tpu.memory_space<hbm>> -> memref<32x128xf32, #tpu.memory_space<hbm>>
      %dma_start3A_205 = arith.constant 0 : i32
      %dma_start3A_206 = tpu.memref_slice %arg7[%add3A_114, %dma_start3A_205] : memref<10240x128xf32, #tpu.memory_space<hbm>> -> memref<32x128xf32, #tpu.memory_space<hbm>>
      tpu.enqueue_dma source(%arg20 : memref<32x128xf32, #tpu.memory_space<vmem>>) target(%dma_start3A_206 : memref<32x128xf32, #tpu.memory_space<hbm>>) target_semaphore(%run_scoped3A : memref<!tpu.dma_semaphore, #tpu.memory_space<semaphore_mem>>)
      %dma_wait3A_207 = arith.constant 0 : i32
      %dma_wait3A_208 = tpu.memref_slice %arg7[%add3A_114, %dma_wait3A_207] : memref<10240x128xf32, #tpu.memory_space<hbm>> -> memref<32x128xf32, #tpu.memory_space<hbm>>
      %dma_wait3A_209 = arith.constant 0 : i32
      %dma_wait3A_210 = tpu.memref_slice %arg7[%add3A_114, %dma_wait3A_209] : memref<10240x128xf32, #tpu.memory_space<hbm>> -> memref<32x128xf32, #tpu.memory_space<hbm>>
      tpu.wait_dma2 semaphore(%run_scoped3A : memref<!tpu.dma_semaphore, #tpu.memory_space<semaphore_mem>>) src(%arg20 : memref<32x128xf32, #tpu.memory_space<vmem>>) dst(%dma_wait3A_210 : memref<32x128xf32, #tpu.memory_space<hbm>>)
      tpu.yield
    }) : () -> ()
    %mul3A_115 = arith.constant 320 : i32
    %mul3A_116 = arith.muli %arg1, %mul3A_115 : i32
    %add3A_117 = arith.constant 64 : i32
    %add3A_118 = arith.addi %mul3A_116, %add3A_117 : i32
    "tpu.region"() ({
      %run_scoped3A = tpu.sem_alloc : memref<!tpu.dma_semaphore, #tpu.memory_space<semaphore_mem>>
      %dma_start3A_203 = arith.constant 0 : i32
      %dma_start3A_204 = tpu.memref_slice %arg21[%add3A_118, %dma_start3A_203] : memref<5120x128xf32, #tpu.memory_space<vmem_shared>> -> memref<32x128xf32, #tpu.memory_space<vmem_shared>>
      %dma_start3A_205 = arith.constant 0 : i32
      %dma_start3A_206 = tpu.memref_slice %arg21[%add3A_118, %dma_start3A_205] : memref<5120x128xf32, #tpu.memory_space<vmem_shared>> -> memref<32x128xf32, #tpu.memory_space<vmem_shared>>
      tpu.enqueue_dma source(%dma_start3A_206 : memref<32x128xf32, #tpu.memory_space<vmem_shared>>) target(%arg20 : memref<32x128xf32, #tpu.memory_space<vmem>>) target_semaphore(%run_scoped3A : memref<!tpu.dma_semaphore, #tpu.memory_space<semaphore_mem>>)
      %dma_wait3A_207 = arith.constant 0 : i32
      %dma_wait3A_208 = tpu.memref_slice %arg21[%add3A_118, %dma_wait3A_207] : memref<5120x128xf32, #tpu.memory_space<vmem_shared>> -> memref<32x128xf32, #tpu.memory_space<vmem_shared>>
      %dma_wait3A_209 = arith.constant 0 : i32
      %dma_wait3A_210 = tpu.memref_slice %arg21[%add3A_118, %dma_wait3A_209] : memref<5120x128xf32, #tpu.memory_space<vmem_shared>> -> memref<32x128xf32, #tpu.memory_space<vmem_shared>>
      tpu.wait_dma2 semaphore(%run_scoped3A : memref<!tpu.dma_semaphore, #tpu.memory_space<semaphore_mem>>) src(%dma_wait3A_210 : memref<32x128xf32, #tpu.memory_space<vmem_shared>>) dst(%arg20 : memref<32x128xf32, #tpu.memory_space<vmem>>)
      tpu.yield
    }) : () -> ()
    %mul3A_119 = arith.constant 5120 : i32
    %mul3A_120 = arith.muli %arg0, %mul3A_119 : i32
    %mul3A_121 = arith.constant 320 : i32
    %mul3A_122 = arith.muli %arg1, %mul3A_121 : i32
    %add3A_123 = arith.addi %mul3A_120, %mul3A_122 : i32
    %add3A_124 = arith.constant 64 : i32
    %add3A_125 = arith.addi %add3A_123, %add3A_124 : i32
    "tpu.region"() ({
      %run_scoped3A = tpu.sem_alloc : memref<!tpu.dma_semaphore, #tpu.memory_space<semaphore_mem>>
      %dma_start3A_203 = arith.constant 0 : i32
      %dma_start3A_204 = tpu.memref_slice %arg7[%add3A_125, %dma_start3A_203] : memref<10240x128xf32, #tpu.memory_space<hbm>> -> memref<32x128xf32, #tpu.memory_space<hbm>>
      %dma_start3A_205 = arith.constant 0 : i32
      %dma_start3A_206 = tpu.memref_slice %arg7[%add3A_125, %dma_start3A_205] : memref<10240x128xf32, #tpu.memory_space<hbm>> -> memref<32x128xf32, #tpu.memory_space<hbm>>
      tpu.enqueue_dma source(%arg20 : memref<32x128xf32, #tpu.memory_space<vmem>>) target(%dma_start3A_206 : memref<32x128xf32, #tpu.memory_space<hbm>>) target_semaphore(%run_scoped3A : memref<!tpu.dma_semaphore, #tpu.memory_space<semaphore_mem>>)
      %dma_wait3A_207 = arith.constant 0 : i32
      %dma_wait3A_208 = tpu.memref_slice %arg7[%add3A_125, %dma_wait3A_207] : memref<10240x128xf32, #tpu.memory_space<hbm>> -> memref<32x128xf32, #tpu.memory_space<hbm>>
      %dma_wait3A_209 = arith.constant 0 : i32
      %dma_wait3A_210 = tpu.memref_slice %arg7[%add3A_125, %dma_wait3A_209] : memref<10240x128xf32, #tpu.memory_space<hbm>> -> memref<32x128xf32, #tpu.memory_space<hbm>>
      tpu.wait_dma2 semaphore(%run_scoped3A : memref<!tpu.dma_semaphore, #tpu.memory_space<semaphore_mem>>) src(%arg20 : memref<32x128xf32, #tpu.memory_space<vmem>>) dst(%dma_wait3A_210 : memref<32x128xf32, #tpu.memory_space<hbm>>)
      tpu.yield
    }) : () -> ()
    %mul3A_126 = arith.constant 320 : i32
    %mul3A_127 = arith.muli %arg1, %mul3A_126 : i32
    %add3A_128 = arith.constant 96 : i32
    %add3A_129 = arith.addi %mul3A_127, %add3A_128 : i32
    "tpu.region"() ({
      %run_scoped3A = tpu.sem_alloc : memref<!tpu.dma_semaphore, #tpu.memory_space<semaphore_mem>>
      %dma_start3A_203 = arith.constant 0 : i32
      %dma_start3A_204 = tpu.memref_slice %arg21[%add3A_129, %dma_start3A_203] : memref<5120x128xf32, #tpu.memory_space<vmem_shared>> -> memref<32x128xf32, #tpu.memory_space<vmem_shared>>
      %dma_start3A_205 = arith.constant 0 : i32
      %dma_start3A_206 = tpu.memref_slice %arg21[%add3A_129, %dma_start3A_205] : memref<5120x128xf32, #tpu.memory_space<vmem_shared>> -> memref<32x128xf32, #tpu.memory_space<vmem_shared>>
      tpu.enqueue_dma source(%dma_start3A_206 : memref<32x128xf32, #tpu.memory_space<vmem_shared>>) target(%arg20 : memref<32x128xf32, #tpu.memory_space<vmem>>) target_semaphore(%run_scoped3A : memref<!tpu.dma_semaphore, #tpu.memory_space<semaphore_mem>>)
      %dma_wait3A_207 = arith.constant 0 : i32
      %dma_wait3A_208 = tpu.memref_slice %arg21[%add3A_129, %dma_wait3A_207] : memref<5120x128xf32, #tpu.memory_space<vmem_shared>> -> memref<32x128xf32, #tpu.memory_space<vmem_shared>>
      %dma_wait3A_209 = arith.constant 0 : i32
      %dma_wait3A_210 = tpu.memref_slice %arg21[%add3A_129, %dma_wait3A_209] : memref<5120x128xf32, #tpu.memory_space<vmem_shared>> -> memref<32x128xf32, #tpu.memory_space<vmem_shared>>
      tpu.wait_dma2 semaphore(%run_scoped3A : memref<!tpu.dma_semaphore, #tpu.memory_space<semaphore_mem>>) src(%dma_wait3A_210 : memref<32x128xf32, #tpu.memory_space<vmem_shared>>) dst(%arg20 : memref<32x128xf32, #tpu.memory_space<vmem>>)
      tpu.yield
    }) : () -> ()
    %mul3A_130 = arith.constant 5120 : i32
    %mul3A_131 = arith.muli %arg0, %mul3A_130 : i32
    %mul3A_132 = arith.constant 320 : i32
    %mul3A_133 = arith.muli %arg1, %mul3A_132 : i32
    %add3A_134 = arith.addi %mul3A_131, %mul3A_133 : i32
    %add3A_135 = arith.constant 96 : i32
    %add3A_136 = arith.addi %add3A_134, %add3A_135 : i32
    "tpu.region"() ({
      %run_scoped3A = tpu.sem_alloc : memref<!tpu.dma_semaphore, #tpu.memory_space<semaphore_mem>>
      %dma_start3A_203 = arith.constant 0 : i32
      %dma_start3A_204 = tpu.memref_slice %arg7[%add3A_136, %dma_start3A_203] : memref<10240x128xf32, #tpu.memory_space<hbm>> -> memref<32x128xf32, #tpu.memory_space<hbm>>
      %dma_start3A_205 = arith.constant 0 : i32
      %dma_start3A_206 = tpu.memref_slice %arg7[%add3A_136, %dma_start3A_205] : memref<10240x128xf32, #tpu.memory_space<hbm>> -> memref<32x128xf32, #tpu.memory_space<hbm>>
      tpu.enqueue_dma source(%arg20 : memref<32x128xf32, #tpu.memory_space<vmem>>) target(%dma_start3A_206 : memref<32x128xf32, #tpu.memory_space<hbm>>) target_semaphore(%run_scoped3A : memref<!tpu.dma_semaphore, #tpu.memory_space<semaphore_mem>>)
      %dma_wait3A_207 = arith.constant 0 : i32
      %dma_wait3A_208 = tpu.memref_slice %arg7[%add3A_136, %dma_wait3A_207] : memref<10240x128xf32, #tpu.memory_space<hbm>> -> memref<32x128xf32, #tpu.memory_space<hbm>>
      %dma_wait3A_209 = arith.constant 0 : i32
      %dma_wait3A_210 = tpu.memref_slice %arg7[%add3A_136, %dma_wait3A_209] : memref<10240x128xf32, #tpu.memory_space<hbm>> -> memref<32x128xf32, #tpu.memory_space<hbm>>
      tpu.wait_dma2 semaphore(%run_scoped3A : memref<!tpu.dma_semaphore, #tpu.memory_space<semaphore_mem>>) src(%arg20 : memref<32x128xf32, #tpu.memory_space<vmem>>) dst(%dma_wait3A_210 : memref<32x128xf32, #tpu.memory_space<hbm>>)
      tpu.yield
    }) : () -> ()
    %mul3A_137 = arith.constant 320 : i32
    %mul3A_138 = arith.muli %arg1, %mul3A_137 : i32
    %add3A_139 = arith.constant 128 : i32
    %add3A_140 = arith.addi %mul3A_138, %add3A_139 : i32
    "tpu.region"() ({
      %run_scoped3A = tpu.sem_alloc : memref<!tpu.dma_semaphore, #tpu.memory_space<semaphore_mem>>
      %dma_start3A_203 = arith.constant 0 : i32
      %dma_start3A_204 = tpu.memref_slice %arg21[%add3A_140, %dma_start3A_203] : memref<5120x128xf32, #tpu.memory_space<vmem_shared>> -> memref<32x128xf32, #tpu.memory_space<vmem_shared>>
      %dma_start3A_205 = arith.constant 0 : i32
      %dma_start3A_206 = tpu.memref_slice %arg21[%add3A_140, %dma_start3A_205] : memref<5120x128xf32, #tpu.memory_space<vmem_shared>> -> memref<32x128xf32, #tpu.memory_space<vmem_shared>>
      tpu.enqueue_dma source(%dma_start3A_206 : memref<32x128xf32, #tpu.memory_space<vmem_shared>>) target(%arg20 : memref<32x128xf32, #tpu.memory_space<vmem>>) target_semaphore(%run_scoped3A : memref<!tpu.dma_semaphore, #tpu.memory_space<semaphore_mem>>)
      %dma_wait3A_207 = arith.constant 0 : i32
      %dma_wait3A_208 = tpu.memref_slice %arg21[%add3A_140, %dma_wait3A_207] : memref<5120x128xf32, #tpu.memory_space<vmem_shared>> -> memref<32x128xf32, #tpu.memory_space<vmem_shared>>
      %dma_wait3A_209 = arith.constant 0 : i32
      %dma_wait3A_210 = tpu.memref_slice %arg21[%add3A_140, %dma_wait3A_209] : memref<5120x128xf32, #tpu.memory_space<vmem_shared>> -> memref<32x128xf32, #tpu.memory_space<vmem_shared>>
      tpu.wait_dma2 semaphore(%run_scoped3A : memref<!tpu.dma_semaphore, #tpu.memory_space<semaphore_mem>>) src(%dma_wait3A_210 : memref<32x128xf32, #tpu.memory_space<vmem_shared>>) dst(%arg20 : memref<32x128xf32, #tpu.memory_space<vmem>>)
      tpu.yield
    }) : () -> ()
    %mul3A_141 = arith.constant 5120 : i32
    %mul3A_142 = arith.muli %arg0, %mul3A_141 : i32
    %mul3A_143 = arith.constant 320 : i32
    %mul3A_144 = arith.muli %arg1, %mul3A_143 : i32
    %add3A_145 = arith.addi %mul3A_142, %mul3A_144 : i32
    %add3A_146 = arith.constant 128 : i32
    %add3A_147 = arith.addi %add3A_145, %add3A_146 : i32
    "tpu.region"() ({
      %run_scoped3A = tpu.sem_alloc : memref<!tpu.dma_semaphore, #tpu.memory_space<semaphore_mem>>
      %dma_start3A_203 = arith.constant 0 : i32
      %dma_start3A_204 = tpu.memref_slice %arg7[%add3A_147, %dma_start3A_203] : memref<10240x128xf32, #tpu.memory_space<hbm>> -> memref<32x128xf32, #tpu.memory_space<hbm>>
      %dma_start3A_205 = arith.constant 0 : i32
      %dma_start3A_206 = tpu.memref_slice %arg7[%add3A_147, %dma_start3A_205] : memref<10240x128xf32, #tpu.memory_space<hbm>> -> memref<32x128xf32, #tpu.memory_space<hbm>>
      tpu.enqueue_dma source(%arg20 : memref<32x128xf32, #tpu.memory_space<vmem>>) target(%dma_start3A_206 : memref<32x128xf32, #tpu.memory_space<hbm>>) target_semaphore(%run_scoped3A : memref<!tpu.dma_semaphore, #tpu.memory_space<semaphore_mem>>)
      %dma_wait3A_207 = arith.constant 0 : i32
      %dma_wait3A_208 = tpu.memref_slice %arg7[%add3A_147, %dma_wait3A_207] : memref<10240x128xf32, #tpu.memory_space<hbm>> -> memref<32x128xf32, #tpu.memory_space<hbm>>
      %dma_wait3A_209 = arith.constant 0 : i32
      %dma_wait3A_210 = tpu.memref_slice %arg7[%add3A_147, %dma_wait3A_209] : memref<10240x128xf32, #tpu.memory_space<hbm>> -> memref<32x128xf32, #tpu.memory_space<hbm>>
      tpu.wait_dma2 semaphore(%run_scoped3A : memref<!tpu.dma_semaphore, #tpu.memory_space<semaphore_mem>>) src(%arg20 : memref<32x128xf32, #tpu.memory_space<vmem>>) dst(%dma_wait3A_210 : memref<32x128xf32, #tpu.memory_space<hbm>>)
      tpu.yield
    }) : () -> ()
    %mul3A_148 = arith.constant 320 : i32
    %mul3A_149 = arith.muli %arg1, %mul3A_148 : i32
    %add3A_150 = arith.constant 160 : i32
    %add3A_151 = arith.addi %mul3A_149, %add3A_150 : i32
    "tpu.region"() ({
      %run_scoped3A = tpu.sem_alloc : memref<!tpu.dma_semaphore, #tpu.memory_space<semaphore_mem>>
      %dma_start3A_203 = arith.constant 0 : i32
      %dma_start3A_204 = tpu.memref_slice %arg21[%add3A_151, %dma_start3A_203] : memref<5120x128xf32, #tpu.memory_space<vmem_shared>> -> memref<32x128xf32, #tpu.memory_space<vmem_shared>>
      %dma_start3A_205 = arith.constant 0 : i32
      %dma_start3A_206 = tpu.memref_slice %arg21[%add3A_151, %dma_start3A_205] : memref<5120x128xf32, #tpu.memory_space<vmem_shared>> -> memref<32x128xf32, #tpu.memory_space<vmem_shared>>
      tpu.enqueue_dma source(%dma_start3A_206 : memref<32x128xf32, #tpu.memory_space<vmem_shared>>) target(%arg20 : memref<32x128xf32, #tpu.memory_space<vmem>>) target_semaphore(%run_scoped3A : memref<!tpu.dma_semaphore, #tpu.memory_space<semaphore_mem>>)
      %dma_wait3A_207 = arith.constant 0 : i32
      %dma_wait3A_208 = tpu.memref_slice %arg21[%add3A_151, %dma_wait3A_207] : memref<5120x128xf32, #tpu.memory_space<vmem_shared>> -> memref<32x128xf32, #tpu.memory_space<vmem_shared>>
      %dma_wait3A_209 = arith.constant 0 : i32
      %dma_wait3A_210 = tpu.memref_slice %arg21[%add3A_151, %dma_wait3A_209] : memref<5120x128xf32, #tpu.memory_space<vmem_shared>> -> memref<32x128xf32, #tpu.memory_space<vmem_shared>>
      tpu.wait_dma2 semaphore(%run_scoped3A : memref<!tpu.dma_semaphore, #tpu.memory_space<semaphore_mem>>) src(%dma_wait3A_210 : memref<32x128xf32, #tpu.memory_space<vmem_shared>>) dst(%arg20 : memref<32x128xf32, #tpu.memory_space<vmem>>)
      tpu.yield
    }) : () -> ()
    %mul3A_152 = arith.constant 5120 : i32
    %mul3A_153 = arith.muli %arg0, %mul3A_152 : i32
    %mul3A_154 = arith.constant 320 : i32
    %mul3A_155 = arith.muli %arg1, %mul3A_154 : i32
    %add3A_156 = arith.addi %mul3A_153, %mul3A_155 : i32
    %add3A_157 = arith.constant 160 : i32
    %add3A_158 = arith.addi %add3A_156, %add3A_157 : i32
    "tpu.region"() ({
      %run_scoped3A = tpu.sem_alloc : memref<!tpu.dma_semaphore, #tpu.memory_space<semaphore_mem>>
      %dma_start3A_203 = arith.constant 0 : i32
      %dma_start3A_204 = tpu.memref_slice %arg7[%add3A_158, %dma_start3A_203] : memref<10240x128xf32, #tpu.memory_space<hbm>> -> memref<32x128xf32, #tpu.memory_space<hbm>>
      %dma_start3A_205 = arith.constant 0 : i32
      %dma_start3A_206 = tpu.memref_slice %arg7[%add3A_158, %dma_start3A_205] : memref<10240x128xf32, #tpu.memory_space<hbm>> -> memref<32x128xf32, #tpu.memory_space<hbm>>
      tpu.enqueue_dma source(%arg20 : memref<32x128xf32, #tpu.memory_space<vmem>>) target(%dma_start3A_206 : memref<32x128xf32, #tpu.memory_space<hbm>>) target_semaphore(%run_scoped3A : memref<!tpu.dma_semaphore, #tpu.memory_space<semaphore_mem>>)
      %dma_wait3A_207 = arith.constant 0 : i32
      %dma_wait3A_208 = tpu.memref_slice %arg7[%add3A_158, %dma_wait3A_207] : memref<10240x128xf32, #tpu.memory_space<hbm>> -> memref<32x128xf32, #tpu.memory_space<hbm>>
      %dma_wait3A_209 = arith.constant 0 : i32
      %dma_wait3A_210 = tpu.memref_slice %arg7[%add3A_158, %dma_wait3A_209] : memref<10240x128xf32, #tpu.memory_space<hbm>> -> memref<32x128xf32, #tpu.memory_space<hbm>>
      tpu.wait_dma2 semaphore(%run_scoped3A : memref<!tpu.dma_semaphore, #tpu.memory_space<semaphore_mem>>) src(%arg20 : memref<32x128xf32, #tpu.memory_space<vmem>>) dst(%dma_wait3A_210 : memref<32x128xf32, #tpu.memory_space<hbm>>)
      tpu.yield
    }) : () -> ()
    %mul3A_159 = arith.constant 320 : i32
    %mul3A_160 = arith.muli %arg1, %mul3A_159 : i32
    %add3A_161 = arith.constant 192 : i32
    %add3A_162 = arith.addi %mul3A_160, %add3A_161 : i32
    "tpu.region"() ({
      %run_scoped3A = tpu.sem_alloc : memref<!tpu.dma_semaphore, #tpu.memory_space<semaphore_mem>>
      %dma_start3A_203 = arith.constant 0 : i32
      %dma_start3A_204 = tpu.memref_slice %arg21[%add3A_162, %dma_start3A_203] : memref<5120x128xf32, #tpu.memory_space<vmem_shared>> -> memref<32x128xf32, #tpu.memory_space<vmem_shared>>
      %dma_start3A_205 = arith.constant 0 : i32
      %dma_start3A_206 = tpu.memref_slice %arg21[%add3A_162, %dma_start3A_205] : memref<5120x128xf32, #tpu.memory_space<vmem_shared>> -> memref<32x128xf32, #tpu.memory_space<vmem_shared>>
      tpu.enqueue_dma source(%dma_start3A_206 : memref<32x128xf32, #tpu.memory_space<vmem_shared>>) target(%arg20 : memref<32x128xf32, #tpu.memory_space<vmem>>) target_semaphore(%run_scoped3A : memref<!tpu.dma_semaphore, #tpu.memory_space<semaphore_mem>>)
      %dma_wait3A_207 = arith.constant 0 : i32
      %dma_wait3A_208 = tpu.memref_slice %arg21[%add3A_162, %dma_wait3A_207] : memref<5120x128xf32, #tpu.memory_space<vmem_shared>> -> memref<32x128xf32, #tpu.memory_space<vmem_shared>>
      %dma_wait3A_209 = arith.constant 0 : i32
      %dma_wait3A_210 = tpu.memref_slice %arg21[%add3A_162, %dma_wait3A_209] : memref<5120x128xf32, #tpu.memory_space<vmem_shared>> -> memref<32x128xf32, #tpu.memory_space<vmem_shared>>
      tpu.wait_dma2 semaphore(%run_scoped3A : memref<!tpu.dma_semaphore, #tpu.memory_space<semaphore_mem>>) src(%dma_wait3A_210 : memref<32x128xf32, #tpu.memory_space<vmem_shared>>) dst(%arg20 : memref<32x128xf32, #tpu.memory_space<vmem>>)
      tpu.yield
    }) : () -> ()
    %mul3A_163 = arith.constant 5120 : i32
    %mul3A_164 = arith.muli %arg0, %mul3A_163 : i32
    %mul3A_165 = arith.constant 320 : i32
    %mul3A_166 = arith.muli %arg1, %mul3A_165 : i32
    %add3A_167 = arith.addi %mul3A_164, %mul3A_166 : i32
    %add3A_168 = arith.constant 192 : i32
    %add3A_169 = arith.addi %add3A_167, %add3A_168 : i32
    "tpu.region"() ({
      %run_scoped3A = tpu.sem_alloc : memref<!tpu.dma_semaphore, #tpu.memory_space<semaphore_mem>>
      %dma_start3A_203 = arith.constant 0 : i32
      %dma_start3A_204 = tpu.memref_slice %arg7[%add3A_169, %dma_start3A_203] : memref<10240x128xf32, #tpu.memory_space<hbm>> -> memref<32x128xf32, #tpu.memory_space<hbm>>
      %dma_start3A_205 = arith.constant 0 : i32
      %dma_start3A_206 = tpu.memref_slice %arg7[%add3A_169, %dma_start3A_205] : memref<10240x128xf32, #tpu.memory_space<hbm>> -> memref<32x128xf32, #tpu.memory_space<hbm>>
      tpu.enqueue_dma source(%arg20 : memref<32x128xf32, #tpu.memory_space<vmem>>) target(%dma_start3A_206 : memref<32x128xf32, #tpu.memory_space<hbm>>) target_semaphore(%run_scoped3A : memref<!tpu.dma_semaphore, #tpu.memory_space<semaphore_mem>>)
      %dma_wait3A_207 = arith.constant 0 : i32
      %dma_wait3A_208 = tpu.memref_slice %arg7[%add3A_169, %dma_wait3A_207] : memref<10240x128xf32, #tpu.memory_space<hbm>> -> memref<32x128xf32, #tpu.memory_space<hbm>>
      %dma_wait3A_209 = arith.constant 0 : i32
      %dma_wait3A_210 = tpu.memref_slice %arg7[%add3A_169, %dma_wait3A_209] : memref<10240x128xf32, #tpu.memory_space<hbm>> -> memref<32x128xf32, #tpu.memory_space<hbm>>
      tpu.wait_dma2 semaphore(%run_scoped3A : memref<!tpu.dma_semaphore, #tpu.memory_space<semaphore_mem>>) src(%arg20 : memref<32x128xf32, #tpu.memory_space<vmem>>) dst(%dma_wait3A_210 : memref<32x128xf32, #tpu.memory_space<hbm>>)
      tpu.yield
    }) : () -> ()
    %mul3A_170 = arith.constant 320 : i32
    %mul3A_171 = arith.muli %arg1, %mul3A_170 : i32
    %add3A_172 = arith.constant 224 : i32
    %add3A_173 = arith.addi %mul3A_171, %add3A_172 : i32
    "tpu.region"() ({
      %run_scoped3A = tpu.sem_alloc : memref<!tpu.dma_semaphore, #tpu.memory_space<semaphore_mem>>
      %dma_start3A_203 = arith.constant 0 : i32
      %dma_start3A_204 = tpu.memref_slice %arg21[%add3A_173, %dma_start3A_203] : memref<5120x128xf32, #tpu.memory_space<vmem_shared>> -> memref<32x128xf32, #tpu.memory_space<vmem_shared>>
      %dma_start3A_205 = arith.constant 0 : i32
      %dma_start3A_206 = tpu.memref_slice %arg21[%add3A_173, %dma_start3A_205] : memref<5120x128xf32, #tpu.memory_space<vmem_shared>> -> memref<32x128xf32, #tpu.memory_space<vmem_shared>>
      tpu.enqueue_dma source(%dma_start3A_206 : memref<32x128xf32, #tpu.memory_space<vmem_shared>>) target(%arg20 : memref<32x128xf32, #tpu.memory_space<vmem>>) target_semaphore(%run_scoped3A : memref<!tpu.dma_semaphore, #tpu.memory_space<semaphore_mem>>)
      %dma_wait3A_207 = arith.constant 0 : i32
      %dma_wait3A_208 = tpu.memref_slice %arg21[%add3A_173, %dma_wait3A_207] : memref<5120x128xf32, #tpu.memory_space<vmem_shared>> -> memref<32x128xf32, #tpu.memory_space<vmem_shared>>
      %dma_wait3A_209 = arith.constant 0 : i32
      %dma_wait3A_210 = tpu.memref_slice %arg21[%add3A_173, %dma_wait3A_209] : memref<5120x128xf32, #tpu.memory_space<vmem_shared>> -> memref<32x128xf32, #tpu.memory_space<vmem_shared>>
      tpu.wait_dma2 semaphore(%run_scoped3A : memref<!tpu.dma_semaphore, #tpu.memory_space<semaphore_mem>>) src(%dma_wait3A_210 : memref<32x128xf32, #tpu.memory_space<vmem_shared>>) dst(%arg20 : memref<32x128xf32, #tpu.memory_space<vmem>>)
      tpu.yield
    }) : () -> ()
    %mul3A_174 = arith.constant 5120 : i32
    %mul3A_175 = arith.muli %arg0, %mul3A_174 : i32
    %mul3A_176 = arith.constant 320 : i32
    %mul3A_177 = arith.muli %arg1, %mul3A_176 : i32
    %add3A_178 = arith.addi %mul3A_175, %mul3A_177 : i32
    %add3A_179 = arith.constant 224 : i32
    %add3A_180 = arith.addi %add3A_178, %add3A_179 : i32
    "tpu.region"() ({
      %run_scoped3A = tpu.sem_alloc : memref<!tpu.dma_semaphore, #tpu.memory_space<semaphore_mem>>
      %dma_start3A_203 = arith.constant 0 : i32
      %dma_start3A_204 = tpu.memref_slice %arg7[%add3A_180, %dma_start3A_203] : memref<10240x128xf32, #tpu.memory_space<hbm>> -> memref<32x128xf32, #tpu.memory_space<hbm>>
      %dma_start3A_205 = arith.constant 0 : i32
      %dma_start3A_206 = tpu.memref_slice %arg7[%add3A_180, %dma_start3A_205] : memref<10240x128xf32, #tpu.memory_space<hbm>> -> memref<32x128xf32, #tpu.memory_space<hbm>>
      tpu.enqueue_dma source(%arg20 : memref<32x128xf32, #tpu.memory_space<vmem>>) target(%dma_start3A_206 : memref<32x128xf32, #tpu.memory_space<hbm>>) target_semaphore(%run_scoped3A : memref<!tpu.dma_semaphore, #tpu.memory_space<semaphore_mem>>)
      %dma_wait3A_207 = arith.constant 0 : i32
      %dma_wait3A_208 = tpu.memref_slice %arg7[%add3A_180, %dma_wait3A_207] : memref<10240x128xf32, #tpu.memory_space<hbm>> -> memref<32x128xf32, #tpu.memory_space<hbm>>
      %dma_wait3A_209 = arith.constant 0 : i32
      %dma_wait3A_210 = tpu.memref_slice %arg7[%add3A_180, %dma_wait3A_209] : memref<10240x128xf32, #tpu.memory_space<hbm>> -> memref<32x128xf32, #tpu.memory_space<hbm>>
      tpu.wait_dma2 semaphore(%run_scoped3A : memref<!tpu.dma_semaphore, #tpu.memory_space<semaphore_mem>>) src(%arg20 : memref<32x128xf32, #tpu.memory_space<vmem>>) dst(%dma_wait3A_210 : memref<32x128xf32, #tpu.memory_space<hbm>>)
      tpu.yield
    }) : () -> ()
    %mul3A_181 = arith.constant 320 : i32
    %mul3A_182 = arith.muli %arg1, %mul3A_181 : i32
    %add3A_183 = arith.constant 256 : i32
    %add3A_184 = arith.addi %mul3A_182, %add3A_183 : i32
    "tpu.region"() ({
      %run_scoped3A = tpu.sem_alloc : memref<!tpu.dma_semaphore, #tpu.memory_space<semaphore_mem>>
      %dma_start3A_203 = arith.constant 0 : i32
      %dma_start3A_204 = tpu.memref_slice %arg21[%add3A_184, %dma_start3A_203] : memref<5120x128xf32, #tpu.memory_space<vmem_shared>> -> memref<32x128xf32, #tpu.memory_space<vmem_shared>>
      %dma_start3A_205 = arith.constant 0 : i32
      %dma_start3A_206 = tpu.memref_slice %arg21[%add3A_184, %dma_start3A_205] : memref<5120x128xf32, #tpu.memory_space<vmem_shared>> -> memref<32x128xf32, #tpu.memory_space<vmem_shared>>
      tpu.enqueue_dma source(%dma_start3A_206 : memref<32x128xf32, #tpu.memory_space<vmem_shared>>) target(%arg20 : memref<32x128xf32, #tpu.memory_space<vmem>>) target_semaphore(%run_scoped3A : memref<!tpu.dma_semaphore, #tpu.memory_space<semaphore_mem>>)
      %dma_wait3A_207 = arith.constant 0 : i32
      %dma_wait3A_208 = tpu.memref_slice %arg21[%add3A_184, %dma_wait3A_207] : memref<5120x128xf32, #tpu.memory_space<vmem_shared>> -> memref<32x128xf32, #tpu.memory_space<vmem_shared>>
      %dma_wait3A_209 = arith.constant 0 : i32
      %dma_wait3A_210 = tpu.memref_slice %arg21[%add3A_184, %dma_wait3A_209] : memref<5120x128xf32, #tpu.memory_space<vmem_shared>> -> memref<32x128xf32, #tpu.memory_space<vmem_shared>>
      tpu.wait_dma2 semaphore(%run_scoped3A : memref<!tpu.dma_semaphore, #tpu.memory_space<semaphore_mem>>) src(%dma_wait3A_210 : memref<32x128xf32, #tpu.memory_space<vmem_shared>>) dst(%arg20 : memref<32x128xf32, #tpu.memory_space<vmem>>)
      tpu.yield
    }) : () -> ()
    %mul3A_185 = arith.constant 5120 : i32
    %mul3A_186 = arith.muli %arg0, %mul3A_185 : i32
    %mul3A_187 = arith.constant 320 : i32
    %mul3A_188 = arith.muli %arg1, %mul3A_187 : i32
    %add3A_189 = arith.addi %mul3A_186, %mul3A_188 : i32
    %add3A_190 = arith.constant 256 : i32
    %add3A_191 = arith.addi %add3A_189, %add3A_190 : i32
    "tpu.region"() ({
      %run_scoped3A = tpu.sem_alloc : memref<!tpu.dma_semaphore, #tpu.memory_space<semaphore_mem>>
      %dma_start3A_203 = arith.constant 0 : i32
      %dma_start3A_204 = tpu.memref_slice %arg7[%add3A_191, %dma_start3A_203] : memref<10240x128xf32, #tpu.memory_space<hbm>> -> memref<32x128xf32, #tpu.memory_space<hbm>>
      %dma_start3A_205 = arith.constant 0 : i32
      %dma_start3A_206 = tpu.memref_slice %arg7[%add3A_191, %dma_start3A_205] : memref<10240x128xf32, #tpu.memory_space<hbm>> -> memref<32x128xf32, #tpu.memory_space<hbm>>
      tpu.enqueue_dma source(%arg20 : memref<32x128xf32, #tpu.memory_space<vmem>>) target(%dma_start3A_206 : memref<32x128xf32, #tpu.memory_space<hbm>>) target_semaphore(%run_scoped3A : memref<!tpu.dma_semaphore, #tpu.memory_space<semaphore_mem>>)
      %dma_wait3A_207 = arith.constant 0 : i32
      %dma_wait3A_208 = tpu.memref_slice %arg7[%add3A_191, %dma_wait3A_207] : memref<10240x128xf32, #tpu.memory_space<hbm>> -> memref<32x128xf32, #tpu.memory_space<hbm>>
      %dma_wait3A_209 = arith.constant 0 : i32
      %dma_wait3A_210 = tpu.memref_slice %arg7[%add3A_191, %dma_wait3A_209] : memref<10240x128xf32, #tpu.memory_space<hbm>> -> memref<32x128xf32, #tpu.memory_space<hbm>>
      tpu.wait_dma2 semaphore(%run_scoped3A : memref<!tpu.dma_semaphore, #tpu.memory_space<semaphore_mem>>) src(%arg20 : memref<32x128xf32, #tpu.memory_space<vmem>>) dst(%dma_wait3A_210 : memref<32x128xf32, #tpu.memory_space<hbm>>)
      tpu.yield
    }) : () -> ()
    %mul3A_192 = arith.constant 320 : i32
    %mul3A_193 = arith.muli %arg1, %mul3A_192 : i32
    %add3A_194 = arith.constant 288 : i32
    %add3A_195 = arith.addi %mul3A_193, %add3A_194 : i32
    "tpu.region"() ({
      %run_scoped3A = tpu.sem_alloc : memref<!tpu.dma_semaphore, #tpu.memory_space<semaphore_mem>>
      %dma_start3A_203 = arith.constant 0 : i32
      %dma_start3A_204 = tpu.memref_slice %arg21[%add3A_195, %dma_start3A_203] : memref<5120x128xf32, #tpu.memory_space<vmem_shared>> -> memref<32x128xf32, #tpu.memory_space<vmem_shared>>
      %dma_start3A_205 = arith.constant 0 : i32
      %dma_start3A_206 = tpu.memref_slice %arg21[%add3A_195, %dma_start3A_205] : memref<5120x128xf32, #tpu.memory_space<vmem_shared>> -> memref<32x128xf32, #tpu.memory_space<vmem_shared>>
      tpu.enqueue_dma source(%dma_start3A_206 : memref<32x128xf32, #tpu.memory_space<vmem_shared>>) target(%arg20 : memref<32x128xf32, #tpu.memory_space<vmem>>) target_semaphore(%run_scoped3A : memref<!tpu.dma_semaphore, #tpu.memory_space<semaphore_mem>>)
      %dma_wait3A_207 = arith.constant 0 : i32
      %dma_wait3A_208 = tpu.memref_slice %arg21[%add3A_195, %dma_wait3A_207] : memref<5120x128xf32, #tpu.memory_space<vmem_shared>> -> memref<32x128xf32, #tpu.memory_space<vmem_shared>>
      %dma_wait3A_209 = arith.constant 0 : i32
      %dma_wait3A_210 = tpu.memref_slice %arg21[%add3A_195, %dma_wait3A_209] : memref<5120x128xf32, #tpu.memory_space<vmem_shared>> -> memref<32x128xf32, #tpu.memory_space<vmem_shared>>
      tpu.wait_dma2 semaphore(%run_scoped3A : memref<!tpu.dma_semaphore, #tpu.memory_space<semaphore_mem>>) src(%dma_wait3A_210 : memref<32x128xf32, #tpu.memory_space<vmem_shared>>) dst(%arg20 : memref<32x128xf32, #tpu.memory_space<vmem>>)
      tpu.yield
    }) : () -> ()
    %mul3A_196 = arith.constant 5120 : i32
    %mul3A_197 = arith.muli %arg0, %mul3A_196 : i32
    %mul3A_198 = arith.constant 320 : i32
    %mul3A_199 = arith.muli %arg1, %mul3A_198 : i32
    %add3A_200 = arith.addi %mul3A_197, %mul3A_199 : i32
    %add3A_201 = arith.constant 288 : i32
    %add3A_202 = arith.addi %add3A_200, %add3A_201 : i32
    "tpu.region"() ({
      %run_scoped3A = tpu.sem_alloc : memref<!tpu.dma_semaphore, #tpu.memory_space<semaphore_mem>>
      %dma_start3A_203 = arith.constant 0 : i32
      %dma_start3A_204 = tpu.memref_slice %arg7[%add3A_202, %dma_start3A_203] : memref<10240x128xf32, #tpu.memory_space<hbm>> -> memref<32x128xf32, #tpu.memory_space<hbm>>
      %dma_start3A_205 = arith.constant 0 : i32
      %dma_start3A_206 = tpu.memref_slice %arg7[%add3A_202, %dma_start3A_205] : memref<10240x128xf32, #tpu.memory_space<hbm>> -> memref<32x128xf32, #tpu.memory_space<hbm>>
      tpu.enqueue_dma source(%arg20 : memref<32x128xf32, #tpu.memory_space<vmem>>) target(%dma_start3A_206 : memref<32x128xf32, #tpu.memory_space<hbm>>) target_semaphore(%run_scoped3A : memref<!tpu.dma_semaphore, #tpu.memory_space<semaphore_mem>>)
      %dma_wait3A_207 = arith.constant 0 : i32
      %dma_wait3A_208 = tpu.memref_slice %arg7[%add3A_202, %dma_wait3A_207] : memref<10240x128xf32, #tpu.memory_space<hbm>> -> memref<32x128xf32, #tpu.memory_space<hbm>>
      %dma_wait3A_209 = arith.constant 0 : i32
      %dma_wait3A_210 = tpu.memref_slice %arg7[%add3A_202, %dma_wait3A_209] : memref<10240x128xf32, #tpu.memory_space<hbm>> -> memref<32x128xf32, #tpu.memory_space<hbm>>
      tpu.wait_dma2 semaphore(%run_scoped3A : memref<!tpu.dma_semaphore, #tpu.memory_space<semaphore_mem>>) src(%arg20 : memref<32x128xf32, #tpu.memory_space<vmem>>) dst(%dma_wait3A_210 : memref<32x128xf32, #tpu.memory_space<hbm>>)
      tpu.yield
    }) : () -> ()
    return
  }
}

module attributes {stable_mosaic.version = 14 : i64} {
  func.func @_mlp_body(%arg0: i32, %arg1: memref<3200x10xf32, #tpu.memory_space<vmem>>, %arg2: memref<3200x1xf32, #tpu.memory_space<vmem>>, %arg3: memref<1x1x3200xi32, #tpu.memory_space<vmem>>, %arg4: memref<10x100xf32, #tpu.memory_space<vmem>>, %arg5: memref<100x128xf32, #tpu.memory_space<vmem>>, %arg6: memref<3200x128xf32, #tpu.memory_space<vmem>>, %arg7: memref<3200x16xf32, #tpu.memory_space<vmem>>) attributes {dimension_semantics = [#tpu.dimension_semantics<arbitrary>], iteration_bounds = array<i64: 100>, scalar_prefetch = 0 : i64, scratch_operands = 0 : i64, tpu.core_type = #tpu.core_type<tc>, window_params = [{transform_indices = @transform_0, window_bounds = array<i64: 3200, 10>}, {transform_indices = @transform_1, window_bounds = array<i64: 3200, 1>}, {transform_indices = @transform_2, window_bounds = array<i64: 1, 1, 3200>}, {pipeline_mode = #tpu.pipeline_mode<synchronous>, transform_indices = @transform_3, window_bounds = array<i64: 10, 100>}, {pipeline_mode = #tpu.pipeline_mode<synchronous>, transform_indices = @transform_4, window_bounds = array<i64: 100, 128>}, {transform_indices = @transform_5, window_bounds = array<i64: 3200, 128>}, {transform_indices = @transform_6, window_bounds = array<i64: 3200, 16>}]} {
    %get3A = arith.constant 0 : index
    %get3A_0 = arith.constant 0 : index
    %get3A_1 = vector.load %arg1[%get3A, %get3A_0] : memref<3200x10xf32, #tpu.memory_space<vmem>>, vector<3200x10xf32>
    %get3A_2 = arith.constant 0 : index
    %get3A_3 = arith.constant 0 : index
    %get3A_4 = vector.load %arg4[%get3A_2, %get3A_3] : memref<10x100xf32, #tpu.memory_space<vmem>>, vector<10x100xf32>
    %dot_general3A = arith.constant dense<0.000000e+00> : vector<3200x100xf32>
    %dot_general3A_5 = tpu.matmul %get3A_1, %get3A_4, %dot_general3A {dimension_numbers = #tpu.dot_dimension_numbers<[1], [0], [0], [1], [0, 0, 1, 1], [], []>, transpose_lhs_hint = false} : vector<3200x10xf32>, vector<10x100xf32>, vector<3200x100xf32> -> vector<3200x100xf32>
    %max3A = arith.constant 0.000000e+00 : f32
    %max3A_6 = vector.broadcast %max3A : f32 to vector<3200x100xf32>
    %max3A_7 = arith.maximumf %dot_general3A_5, %max3A_6 : vector<3200x100xf32>
    %get3A_8 = arith.constant 0 : index
    %get3A_9 = arith.constant 0 : index
    %get3A_10 = vector.load %arg5[%get3A_8, %get3A_9] : memref<100x128xf32, #tpu.memory_space<vmem>>, vector<100x128xf32>
    %dot_general3A_11 = arith.constant dense<0.000000e+00> : vector<3200x128xf32>
    %dot_general3A_12 = tpu.matmul %max3A_7, %get3A_10, %dot_general3A_11 {dimension_numbers = #tpu.dot_dimension_numbers<[1], [0], [0], [1], [0, 0, 1, 1], [], []>, transpose_lhs_hint = false} : vector<3200x100xf32>, vector<100x128xf32>, vector<3200x128xf32> -> vector<3200x128xf32>
    %get3A_13 = arith.constant 0 : index
    %get3A_14 = arith.constant 0 : index
    %get3A_15 = vector.load %arg2[%get3A_13, %get3A_14] : memref<3200x1xf32, #tpu.memory_space<vmem>>, vector<3200x1xf32>
    %mul3A = vector.broadcast %get3A_15 : vector<3200x1xf32> to vector<3200x128xf32>
    %mul3A_16 = arith.mulf %dot_general3A_12, %mul3A : vector<3200x128xf32>
    %swap3A = arith.constant 0 : index
    %swap3A_17 = arith.constant 0 : index
    %swap3A_18 = vector.load %arg6[%swap3A, %swap3A_17] : memref<3200x128xf32, #tpu.memory_space<vmem>>, vector<3200x128xf32>
    tpu.vector_store %arg6[%swap3A, %swap3A_17], %mul3A_16 {strides = array<i32>} : memref<3200x128xf32, #tpu.memory_space<vmem>>, vector<3200x128xf32>,
    %get3A_19 = arith.constant 0 : index
    %get3A_20 = arith.constant 0 : index
    %get3A_21 = arith.constant 0 : index
    %get3A_22 = vector.load %arg3[%get3A_19, %get3A_20, %get3A_21] : memref<1x1x3200xi32, #tpu.memory_space<vmem>>, vector<1x1x3200xi32>
    %get3A_23 = vector.shape_cast %get3A_22 : vector<1x1x3200xi32> to vector<3200xi32>
    %and3A = arith.constant 1 : i32
    %and3A_24 = vector.broadcast %and3A : i32 to vector<3200xi32>
    %and3A_25 = arith.andi %get3A_23, %and3A_24 : vector<3200xi32>
    %convert_element_type3A = arith.sitofp %and3A_25 : vector<3200xi32> to vector<3200xf32>
    %broadcast_in_dim3A = vector.shape_cast %convert_element_type3A : vector<3200xf32> to vector<3200x1xf32>
    %broadcast_in_dim3A_26 = vector.shape_cast %broadcast_in_dim3A : vector<3200x1xf32> to vector<3200x1xf32>
    %broadcast_in_dim3A_27 = vector.broadcast %broadcast_in_dim3A_26 : vector<3200x1xf32> to vector<3200x16xf32>
    %swap3A_28 = arith.constant 0 : index
    %swap3A_29 = arith.constant 0 : index
    %swap3A_30 = vector.load %arg7[%swap3A_28, %swap3A_29] : memref<3200x16xf32, #tpu.memory_space<vmem>>, vector<3200x16xf32>
    tpu.vector_store %arg7[%swap3A_28, %swap3A_29], %broadcast_in_dim3A_27 {strides = array<i32>} : memref<3200x16xf32, #tpu.memory_space<vmem>>, vector<3200x16xf32>,
    return
  }
  func.func @transform_0(%arg0: i32) -> (i32, i32) {
    %c0_i32 = arith.constant 0 : i32
    %c0_i32_0 = arith.constant 0 : i32
    return %arg0, %c0_i32 : i32, i32
  }
  func.func @transform_1(%arg0: i32) -> (i32, i32) {
    %c0_i32 = arith.constant 0 : i32
    %c0_i32_0 = arith.constant 0 : i32
    return %arg0, %c0_i32 : i32, i32
  }
  func.func @transform_2(%arg0: i32) -> (i32, i32, i32) {
    %c0_i32 = arith.constant 0 : i32
    %c0_i32_0 = arith.constant 0 : i32
    %c0_i32_1 = arith.constant 0 : i32
    return %arg0, %c0_i32, %c0_i32_0 : i32, i32, i32
  }
  func.func @transform_3(%arg0: i32) -> (i32, i32) {
    %c0_i32 = arith.constant 0 : i32
    %c0_i32_0 = arith.constant 0 : i32
    %c0_i32_1 = arith.constant 0 : i32
    return %c0_i32, %c0_i32_0 : i32, i32
  }
  func.func @transform_4(%arg0: i32) -> (i32, i32) {
    %c0_i32 = arith.constant 0 : i32
    %c0_i32_0 = arith.constant 0 : i32
    %c0_i32_1 = arith.constant 0 : i32
    return %c0_i32, %c0_i32_0 : i32, i32
  }
  func.func @transform_5(%arg0: i32) -> (i32, i32) {
    %c0_i32 = arith.constant 0 : i32
    %c0_i32_0 = arith.constant 0 : i32
    return %arg0, %c0_i32 : i32, i32
  }
  func.func @transform_6(%arg0: i32) -> (i32, i32) {
    %c0_i32 = arith.constant 0 : i32
    %c0_i32_0 = arith.constant 0 : i32
    return %arg0, %c0_i32 : i32, i32
  }
}

module attributes {stable_mosaic.version = 14 : i64} {
  func.func @_xl_body(%arg0: memref<10000x128xf32, #tpu.memory_space<vmem>>, %arg1: memref<128x128xf32, #tpu.memory_space<vmem>>, %arg2: memref<10000x128xf32, #tpu.memory_space<vmem>>) attributes {dimension_semantics = [], scalar_prefetch = 0 : i64, scratch_operands = 0 : i64, tpu.core_type = #tpu.core_type<tc>} {
    %get3A = arith.constant 0 : index
    %get3A_0 = arith.constant 0 : index
    %get3A_1 = vector.load %arg0[%get3A, %get3A_0] : memref<10000x128xf32, #tpu.memory_space<vmem>>, vector<10000x128xf32>
    %get3A_2 = arith.constant 0 : index
    %get3A_3 = arith.constant 0 : index
    %get3A_4 = vector.load %arg1[%get3A_2, %get3A_3] : memref<128x128xf32, #tpu.memory_space<vmem>>, vector<128x128xf32>
    %dot_general3A = arith.constant dense<0.000000e+00> : vector<10000x128xf32>
    %dot_general3A_5 = tpu.matmul %get3A_1, %get3A_4, %dot_general3A {dimension_numbers = #tpu.dot_dimension_numbers<[1], [0], [0], [1], [0, 0, 1, 1], [], []>, transpose_lhs_hint = false} : vector<10000x128xf32>, vector<128x128xf32>, vector<10000x128xf32> -> vector<10000x128xf32>
    %swap3A = arith.constant 0 : index
    %swap3A_6 = arith.constant 0 : index
    %swap3A_7 = vector.load %arg2[%swap3A, %swap3A_6] : memref<10000x128xf32, #tpu.memory_space<vmem>>, vector<10000x128xf32>
    tpu.vector_store %arg2[%swap3A, %swap3A_6], %dot_general3A_5 {strides = array<i32>} : memref<10000x128xf32, #tpu.memory_space<vmem>>, vector<10000x128xf32>,
    return
  }
}

module attributes {stable_mosaic.version = 14 : i64} {
  func.func @_final_body(%arg0: memref<10000x128xf32, #tpu.memory_space<vmem>>, %arg1: memref<10000x64xf32, #tpu.memory_space<vmem>>, %arg2: memref<10000x64xf32, #tpu.memory_space<vmem>>, %arg3: memref<128x128xf32, #tpu.memory_space<vmem>>, %arg4: memref<128x128xf32, #tpu.memory_space<vmem>>, %arg5: memref<10000x128xf32, #tpu.memory_space<vmem>>) attributes {dimension_semantics = [], scalar_prefetch = 0 : i64, scratch_operands = 0 : i64, tpu.core_type = #tpu.core_type<tc>} {
    %get3A = arith.constant 0 : index
    %get3A_0 = arith.constant 0 : index
    %get3A_1 = vector.load %arg1[%get3A, %get3A_0] : memref<10000x64xf32, #tpu.memory_space<vmem>>, vector<10000x64xf32>
    %get3A_2 = arith.constant 0 : index
    %get3A_3 = arith.constant 0 : index
    %get3A_4 = vector.load %arg2[%get3A_2, %get3A_3] : memref<10000x64xf32, #tpu.memory_space<vmem>>, vector<10000x64xf32>
    %concatenate3A = tpu.concatenate %get3A_1, %get3A_4 in 1 : vector<10000x64xf32>, vector<10000x64xf32> -> vector<10000x128xf32>
    %get3A_5 = arith.constant 0 : index
    %get3A_6 = arith.constant 0 : index
    %get3A_7 = vector.load %arg0[%get3A_5, %get3A_6] : memref<10000x128xf32, #tpu.memory_space<vmem>>, vector<10000x128xf32>
    %get3A_8 = arith.constant 0 : index
    %get3A_9 = arith.constant 0 : index
    %get3A_10 = vector.load %arg3[%get3A_8, %get3A_9] : memref<128x128xf32, #tpu.memory_space<vmem>>, vector<128x128xf32>
    %dot_general3A = arith.constant dense<0.000000e+00> : vector<10000x128xf32>
    %dot_general3A_11 = tpu.matmul %get3A_7, %get3A_10, %dot_general3A {dimension_numbers = #tpu.dot_dimension_numbers<[1], [0], [0], [1], [0, 0, 1, 1], [], []>, transpose_lhs_hint = false} : vector<10000x128xf32>, vector<128x128xf32>, vector<10000x128xf32> -> vector<10000x128xf32>
    %get3A_12 = arith.constant 0 : index
    %get3A_13 = arith.constant 0 : index
    %get3A_14 = vector.load %arg4[%get3A_12, %get3A_13] : memref<128x128xf32, #tpu.memory_space<vmem>>, vector<128x128xf32>
    %dot_general3A_15 = arith.constant dense<0.000000e+00> : vector<10000x128xf32>
    %dot_general3A_16 = tpu.matmul %concatenate3A, %get3A_14, %dot_general3A_15 {dimension_numbers = #tpu.dot_dimension_numbers<[1], [0], [0], [1], [0, 0, 1, 1], [], []>, transpose_lhs_hint = false} : vector<10000x128xf32>, vector<128x128xf32>, vector<10000x128xf32> -> vector<10000x128xf32>
    %add3A = arith.addf %dot_general3A_11, %dot_general3A_16 : vector<10000x128xf32>
    %swap3A = arith.constant 0 : index
    %swap3A_17 = arith.constant 0 : index
    %swap3A_18 = vector.load %arg5[%swap3A, %swap3A_17] : memref<10000x128xf32, #tpu.memory_space<vmem>>, vector<10000x128xf32>
    tpu.vector_store %arg5[%swap3A, %swap3A_17], %add3A {strides = array<i32>} : memref<10000x128xf32, #tpu.memory_space<vmem>>, vector<10000x128xf32>,
    return
  }
}

</mosaic_0001>

<sc_bundles>
// kernel: kernel.6.cloned.1.call-start
scs
__scs_entry_jumppad:
0x0: {  	(pc) =	sbr.rel $0x88, $3  }
0x1: {  	(tag) =	ssettag $0x0;
	lr =	simm.s32 $0x1  }
0x2: {  	[smem:$0x3F97] =	sst lr;
	_ =	strace $0xD0000000  }
0x3: {  	_ = 	snop  }
0x4: {  	_ = 	snop  }
0x5: {  	_ = 	snop  }
0x6: {  	_ = 	snop  }
0x7: {  	_ = 	snop  }
__scs_overlays_trampoline_lowered:
0x8: {  	[smem:$0x3FA6] =	sst s0  }
0x9: {  	[smem:$0x3FA7] =	sst s1  }
0xa: {  	[smem:$0x3FA8] =	sst s2  }
0xb: {  	[smem:$0x3FA9] =	sst s3  }
0xc: {  	[smem:$0x3FAA] =	sst s4  }
0xd: {  	[smem:$0x3FAB] =	sst s5  }
0xe: {  	[smem:$0x3FAC] =	sst s6  }
0xf: {  	[smem:$0x3FAD] =	sst s7  }
0x10: {  	[smem:$0x3FAE] =	sst s8  }
0x11: {  	[smem:$0x3FAF] =	sst s9;
	s0 =	simm.s32 @!p0 $0x0  }
0x12: {  	s1 =	sld [smem:$0x3F95];
	s0 =	simm.s32 @p0 $0x1  }
0x13: {  	[smem:$0x3FB0] =	sst s0;
	s0 =	simm.s32 @!p1 $0x0  }
0x14: {  	s2 =	sld [smem:$0x3F94];
	s0 =	simm.s32 @p1 $0x1  }
0x15: {  	[smem:$0x3FB1] =	sst s0;
	s0 =	simm.s32 @!p2 $0x0  }
0x16: {  	s3 =	sld [smem:$0x3FDB];
	s0 =	simm.s32 @p2 $0x1  }
0x17: {  	s4 =	simm.s32 $0x1BF5;
	[smem:$0x3FB3] =	sst s0  }
0x18: {  	s0 =	sld [smem:$0x3F96];
	_ =	swait.ge [sflag:s4], $0x0  }
0x19: {  	s7 =	sld [smem:$0x3F97]  }
0x1a: {  	s8 =	sadd.s32 $0xFFFFE003, lr  }
0x1b: {  	s9 =	sadd.s32 $0xFFFFFEF7, lr;
	s5 =	simm.s32 $0xFFFFFFFF;
	p2 =	slt.u32 s8, $0xFFFFF086  }
0x1c: {  	p1 =	slt.u32 s9, $0xF7A;
	s5 =	simm.s32 @!p2 $0x0  }
0x1d: {  	s5 =	simm.s32 @p1 $0x1;
	p0 =	seq.s32 s7, s2  }
0x1e: {  	s7 =	smul.u32 @!p0 $0xF7A, s2;
	p2 =	seq.s32 @!p0 s5, $0x0  }
0x1f: {  	s9 =	smul.u32 $0xF7A, s1;
	s8 =	simm.s32 @!p0 $0x1BF5;
	p2 =	por !p2, p0  }
0x20: {  	[sflag:s8] =	ssyncset.s32 @!p0 $0xFFFFF086;
	s6 =	sadd.s32 @!p0 s3, s7;
	s7 =	simm.s32 @!p0 $0x108  }
0x21: {  	s3 =	sadd.s32 s3, s9;
	s6 =	sadd.s32 @!p0 $0x88, s6;
	s7 =	simm.s32 @p2 $0x1082  }
0x22: {  	[simem:s7], [sflag:s8] =	dma.local @!p0 [hbm:s6], $0xF7A  }
0x23: {  	s9 =	sor.u32 $0xD0000000, s2;
	s6 =	simm.s32 $0x108;
	_ =	swait.ge @!p0 [sflag:s8], $0x0  }
0x24: {  	s3 =	sadd.s32 $0x88, s3;
	s6 =	simm.s32 @!p1 $0x1082;
	[sflag:s4] =	ssyncset.s32 $0xFFFFF086  }
0x25: {  	[simem:s6], [sflag:s4] =	dma.local [hbm:s3], $0xF7A  }
0x26: {  	[smem:$0x3F97] =	sst s1;
	(tag) =	ssettag s2;
	_ =	strace s9  }
0x27: {  	s1 =	sld [smem:$0x3FA7]  }
0x28: {  	s2 =	sld [smem:$0x3FA8]  }
0x29: {  	s4 =	sld [smem:$0x3FAA]  }
0x2a: {  	p0 =	seq.s32 s5, $0x0;
	s5 =	sld [smem:$0x3FAB]  }
0x2b: {  	s6 =	sld [smem:$0x3FAC]  }
0x2c: {  	s7 =	sld [smem:$0x3FAD]  }
0x2d: {  	s3 =	simm.s32 $0x108;
	s8 =	sld [smem:$0x3FAE]  }
0x2e: {  	s3 =	simm.s32 @!p0 $0x1082;
	s9 =	sld [smem:$0x3FAF]  }
0x2f: {  	lr =	sadd.s32 s0, s3;
	s0 =	sld [smem:$0x3FA6]  }
0x30: {  	s3 =	sld [smem:$0x3FA9]  }
0x31: {  	[smem:$0x3FB2] =	sst s10  }
0x32: {  	s10 =	sld [smem:$0x3FB0];
	_ =	sdelay $0x3  }
0x33: {  	p0 =	seq.s32 s10, $0x1;
	s10 =	sld [smem:$0x3FB2];
	_ =	sdelay $0x3  }
0x34: {  	[smem:$0x3FB2] =	sst s10  }
0x35: {  	s10 =	sld [smem:$0x3FB1];
	_ =	sdelay $0x3  }
0x36: {  	p1 =	seq.s32 s10, $0x1;
	s10 =	sld [smem:$0x3FB2];
	_ =	sdelay $0x3  }
0x37: {  	[smem:$0x3FB2] =	sst s10  }
0x38: {  	s10 =	sld [smem:$0x3FB3]  }
0x39: {  	_ = 	snop;
	(pc) =	sbr.ind lr, $3  }
0x3a: {  	_ = 	snop  }
0x3b: {  	_ = 	snop  }
0x3c: {  	p2 =	seq.s32 s10, $0x1;
	s10 =	sld [smem:$0x3FB2]  }
0x3d: {  	_ =	shalt  }
0x3e: {  	_ =	shalt  }
0x3f: {  	_ =	shalt  }
0x40: {  	_ =	shalt  }
0x41: {  	_ =	shalt  }
0x42: {  	_ =	shalt  }
0x43: {  	_ =	shalt  }
0x44: {  	_ =	shalt  }
0x45: {  	_ =	shalt  }
0x46: {  	_ =	shalt  }
0x47: {  	_ =	shalt  }
0x48: {  	_ =	shalt  }
0x49: {  	_ =	shalt  }
0x4a: {  	_ =	shalt  }
0x4b: {  	_ =	shalt  }
0x4c: {  	_ =	shalt  }
0x4d: {  	_ =	shalt  }
0x4e: {  	_ =	shalt  }
0x4f: {  	_ =	shalt  }
0x50: {  	_ =	shalt  }
0x51: {  	_ =	shalt  }
0x52: {  	_ =	shalt  }
0x53: {  	_ =	shalt  }
0x54: {  	_ =	shalt  }
0x55: {  	_ =	shalt  }
0x56: {  	_ =	shalt  }
0x57: {  	_ =	shalt  }
0x58: {  	_ =	shalt  }
0x59: {  	_ =	shalt  }
0x5a: {  	_ =	shalt  }
0x5b: {  	_ =	shalt  }
0x5c: {  	_ =	shalt  }
0x5d: {  	_ =	shalt  }
0x5e: {  	_ =	shalt  }
0x5f: {  	_ =	shalt  }
0x60: {  	_ =	shalt  }
0x61: {  	_ =	shalt  }
0x62: {  	_ =	shalt  }
0x63: {  	_ =	shalt  }
0x64: {  	_ =	shalt  }
0x65: {  	_ =	shalt  }
0x66: {  	_ =	shalt  }
0x67: {  	_ =	shalt  }
0x68: {  	_ =	shalt  }
0x69: {  	_ =	shalt  }
0x6a: {  	_ =	shalt  }
0x6b: {  	_ =	shalt  }
0x6c: {  	_ =	shalt  }
0x6d: {  	_ =	shalt  }
0x6e: {  	_ =	shalt  }
0x6f: {  	_ =	shalt  }
0x70: {  	_ =	shalt  }
0x71: {  	_ =	shalt  }
0x72: {  	_ =	shalt  }
0x73: {  	_ =	shalt  }
0x74: {  	_ =	shalt  }
0x75: {  	_ =	shalt  }
0x76: {  	_ =	shalt  }
0x77: {  	_ =	shalt  }
0x78: {  	_ =	shalt  }
0x79: {  	_ =	shalt  }
0x7a: {  	_ =	shalt  }
0x7b: {  	_ =	shalt  }
0x7c: {  	_ =	shalt  }
0x7d: {  	_ =	shalt  }
0x7e: {  	_ =	shalt  }
0x7f: {  	_ =	shalt  }
0x80: {  	_ =	shalt  }
0x81: {  	_ =	shalt  }
0x82: {  	_ =	shalt  }
0x83: {  	_ =	shalt  }
0x84: {  	_ =	shalt  }
0x85: {  	_ =	shalt  }
0x86: {  	_ =	shalt  }
0x87: {  	_ =	shalt  }
.Lfunc_end0:
.L_simem_size_0:
called_computation_lowered:
.L_overlay_start_0:
0x88: {  	s2 =	sld [smem:$0x3FD9]  }
0x89: {  	s3 =	sld [smem:$0x3FFE];
	_ =	sdelay $0x1  }
0x8a: {  	s1 =	srdreg.scid  }
0x8b: {  	s0 =	sand.u32 $0x1, s1  }
0x8c: {  	s17 =	sshll.u32 s0, $0xA;
	s2 =	sadd.s32 s3, s2  }
0x8d: {  	s2 =	sadd.s32 s2, s17  }
0x8e: {  	[smem:$0x3FBE] =	sst s2  }
0x8f: {  	_ = 	snop  }
0x90: {  	s2 =	sld [smem:$0x3FC8]  }
0x91: {  	s18 =	sld [smem:$0x3FC7]  }
0x92: {  	s4 =	sld [smem:$0x3FD0];
	(tm) =	ssettm $0x1  }
0x93: {  	s5 =	sld [smem:$0x3FFB];
	_ =	sdelay $0x3  }
0x94: {  	_ =	strace s5  }
0x95: {  	s5 =	sld [smem:$0x3FFC];
	_ =	sdelay $0x3  }
0x96: {  	_ =	strace s5  }
0x97: {  	s5 =	sld [smem:$0x3FFD];
	_ =	sdelay $0x3  }
0x98: {  	_ =	strace s5  }
0x99: {  	_ =	strace $0x8FFFFFFF  }
0x9a: {  	s19 =	sld [smem:$0x3FDB];
	_ =	sdelay $0x1  }
0x9b: {  	s6 =	simm.s32 $_scs_section_size  }
0x9c: {  	s7 =	simm.s32 $_size__tile_overlayer_lowered;
	s8 =	simm.s32 $_tile_overlayer_lowered  }
0x9d: {  	s22 =	simm.s32 $0x1BFF;
	s21 =	sshll.u32 s8, $0x1;
	s5 =	sadd.s32 s6, s19  }
0x9e: {  	s9 =	simm.s32 $0x0;
	s20 =	sshll.u32 s7, $0x1;
	s7 =	sadd.s32 s21, s5  }
0x9f: {  	[timem:s9], [sflag:s22] =	dma.local [hbm:s7], s20  }
0xa0: {  	_ =	swait.ge [sflag:s22], s20  }
0xa1: {  	s6 =	ssub.s32 $0x0, s20;
	[sflag:s22] =	ssyncset.done $0x0  }
0xa2: {  	[sflag:s22] =	ssyncadd.s32 s6;
	_ =	sdelay $0x1  }
0xa3: {  	s23 =	simm.s32 $0x1B8B  }
0xa4: {  	_ =	swait.ge [sflag:s23], $0x1  }
0xa5: {  	[sflag:s23] =	ssyncset.done $0x0  }
0xa6: {  	s25 =	simm.s32 $0x1B8E;
	s24 =	sld [smem:$0x3FFE];
	[sflag:s23] =	ssyncadd.s32 $0xFFFFFFFF  }
0xa7: {  	s26 =	simm.s32 $execute0_lowered;
	[smem:$0x3FD2] =	sst s25  }
0xa8: {  	s7 =	sshll.u32 s26, $0x1;
	_ =	strace $0x80000046;
	[dreg:$0x1] =	wrdreg $0xFFFFFFFF  }
0xa9: {  	s28 =	simm.s32 $_size_execute0_lowered;
	s5 =	sadd.s32 s5, s7;
	[dreg:$0x0] =	wrdreg $0x0  }
0xaa: {  	s7 =	sshll.u32 s28, $0x1;
	[dreg:$0x2] =	wrdreg s5  }
0xab: {  	[dreg:$0x3] =	wrdreg s7  }
0xac: {  	[dreg:$0x4] =	wrdreg $0xC0  }
0xad: {  	_ =	task [dreg:s9], $0x5FFFF  }
0xae: {  	[dreg:$0x1] =	wrdreg $0xFFFFFFFF  }
0xaf: {  	[dreg:$0x0] =	wrdreg $0x60  }
0xb0: {  	[dreg:$0x2] =	wrdreg s24  }
0xb1: {  	[dreg:$0x3] =	wrdreg s2  }
0xb2: {  	[dreg:$0x4] =	wrdreg s18  }
0xb3: {  	[dreg:$0x5] =	wrdreg s4  }
0xb4: {  	[dreg:$0x6] =	wrdreg $0x10C000  }
0xb5: {  	[dreg:$0x7] =	wrdreg $0x9  }
0xb6: {  	_ =	task.clear_ibuf [dreg:s9], $0x8FFFF;
	_ =	strace $0x90000046  }
0xb7: {  	s29 =	simm.s32 $0x9;
	_ =	strace $0x80000048  }
0xb8: {  	_ =	swait.ge [sflag:s29], $0x1  }
0xb9: {  	[sflag:s29] =	ssyncadd.s32 $0xFFFFFFFF  }
0xba: {  	_ =	strace $0x90000048  }
0xbb: {  	_ =	sfence  }
0xbc: {  	s30 =	sld [smem:$0x0];
	_ =	sdelay $0x2  }
0xbd: {  	s31 =	sshll.u32 s1, $0xD;
	s1 =	sshrl.u32 s1, $0x2  }
0xbe: {  	s3 =	sand.u32 $0x4000, s31;
	s1 =	sadd.s32 s1, s30  }
0xbf: {  	s0 =	sor.u32 s3, s0;
	s1 =	sshll.u32 s1, $0x11  }
0xc0: {  	s0 =	sor.u32 s1, s0  }
0xc1: {  	s0 =	sadd.s32 $0x8F2B, s0  }
0xc2: {  	[sflag:s0] =	ssyncadd.remote.s32 $0x1  }
0xc3: {  	_ =	sfence.sel $0xFFFF  }
0xc4: {  	[dreg:$0x0] =	wrdreg $0xFFFFFFFF;
	(pc) =	sbr.abs _section_cstart, $3  }
0xc5: {  	[dreg:$0x1] =	wrdreg $0xFFFFFFFF  }
0xc6: {  	_ =	task.clear_ibuf [dreg:s9], $0x2FFFF;
	_ =	strace $0x9FFFFFFF  }
0xc7: {  	(tm) =	ssettm $0x7FFFFFFF  }
tec
execute0_lowered:
.L_overlay_start_1:
0x0: {  	(tag) =	ssettag $0x1  }
0x1: {  	s0 =	rddreg [dreg:$0x0]  }
0x2: {  	s1 =	rddreg [dreg:$0x1]  }
0x3: {  	s2 =	rddreg [dreg:$0x2];
	s13 =	stileid.u32  }
0x4: {  	s4 =	rddreg [dreg:$0x3];
	s7 =	smul.u32 $0x140, s13  }
0x5: {  	s3 =	srdreg.scid;
	s10 =	smul.u32 $0x28000, s13  }
0x6: {  	s5 =	rddreg [dreg:$0x4];
	s3 =	sand.u32 $0x1, s3;
	s24 =	smul.u32 $0x4E200, s13  }
0x7: {  	s6 =	simm.s32 $0x0;
	s28 =	simm.s32 $0x100;
	s8 =	smul.u32 $0x1400, s3  }
0x8: {  	s29 =	simm.s32 $0x3;
	[smem:$0x7FF] =	sst s6;
	s14 =	smul.u32 $0x9C40, s13  }
0x9: {  	_ =	strace $0x80000047;
	s10 =	sshrl.u32 s10, $0x2;
	s8 =	sadd.s32 s7, s8  }
0xa: {  	s7 =	sadd.s32 $0xEA8400, s0;
	s15 =	sadd.s32 s10, s5;
	s9 =	sshll.u32 s8, $0x4  }
0xb: {  	s8 =	sadd.s32 $0x2400, s0;
	s10 =	sadd.s32 s7, s24;
	[dreg:$0x6] =	wrdreg s15  }
0xc: {  	s0 =	sadd.s32 s9, s0;
	[dreg:$0x8] =	wrdreg s10;
	s26 =	sadd.s32 s8, s14  }
0xd: {  	s30 =	simm.s32 $0xAC00;
	[dreg:$0x9] =	wrdreg s26;
	s18 =	sadd.s32 $0x9E800, s0  }
0xe: {  	s31 =	simm.s32 $0x2;
	s19 =	sadd.s32 $0x9EA00, s0;
	[dreg:$0xd] =	wrdreg s18  }
0xf: {  	s11 =	ssub.s32 $0x2, s3;
	s20 =	sadd.s32 $0x9EC00, s0;
	[dreg:$0xe] =	wrdreg s19  }
0x10: {  	s3 =	sshll.u32 s3, $0x6;
	s21 =	sadd.s32 $0x9EE00, s0;
	[dreg:$0xf] =	wrdreg s20  }
0x11: {  	s12 =	sshrl.u32 s11, $0x1;
	s22 =	sadd.s32 $0x9F000, s0;
	[dreg:$0x10] =	wrdreg s21  }
0x12: {  	s9 =	smul.u32 $0x4E20, s13;
	s23 =	sadd.s32 $0x9F200, s0;
	[dreg:$0x11] =	wrdreg s22  }
0x13: {  	s11 =	ssub.s32 s11, s12;
	s24 =	sadd.s32 $0x9F400, s0;
	[dreg:$0x12] =	wrdreg s23  }
0x14: {  	s26 =	sadd.s32 $0x9F800, s0;
	s25 =	sshrl.u32 s9, $0x3;
	[dreg:$0x13] =	wrdreg s24  }
0x15: {  	s13 =	sadd.s32 $0x50, s9;
	[dreg:$0x15] =	wrdreg s26;
	s20 =	sadd.s32 $0x5000, s15  }
0x16: {  	s19 =	sadd.s32 $0x2000, s15;
	s21 =	sadd.s32 $0x6000, s15;
	[dreg:$0x1c] =	wrdreg s20  }
0x17: {  	s22 =	sadd.s32 $0x3000, s15;
	s24 =	sadd.s32 $0x7000, s15;
	[dreg:$0x1d] =	wrdreg s21  }
0x18: {  	s23 =	sadd.s32 $0x4000, s15;
	s26 =	sadd.s32 $0x9000, s15;
	[dreg:$0x1e] =	wrdreg s24  }
0x19: {  	s18 =	sadd.s32 $0xF0, s9;
	s12 =	sadd.s32 s1, s25;
	[smem:$0x7FD] =	sst s26  }
0x1a: {  	s14 =	sshll.u32 s13, $0x4;
	s17 =	sshll.u32 s13, $0x1;
	[dreg:$0x19] =	wrdreg s19  }
0x1b: {  	s25 =	sadd.s32 $0x9F600, s0;
	s0 =	sadd.s32 $0x9FA00, s0;
	[dreg:$0x1a] =	wrdreg s22  }
0x1c: {  	s20 =	simm.s32 $0x7;
	s21 =	simm.s32 $0x80;
	[dreg:$0x1b] =	wrdreg s23  }
0x1d: {  	s24 =	simm.s32 $0x1;
	s26 =	simm.s32 $0x5C00;
	[dreg:$0x7] =	wrdreg s12  }
0x1e: {  	s12 =	sshrl.u32 s13, $0x3;
	s16 =	sadd.s32 s7, s14;
	[dreg:$0x14] =	wrdreg s25  }
0x1f: {  	[dreg:$0x16] =	wrdreg s0;
	s14 =	sor.u32 $0x8430, s3;
	s25 =	sadd.s32 $0x8000, s15  }
0x20: {  	s0 =	simm.s32 $0x180;
	s10 =	sadd.s32 s1, s12;
	[dreg:$0xb] =	wrdreg s16  }
0x21: {  	s12 =	sor.u32 $0x5C30, s3;
	s16 =	sadd.s32 $0x1000, s15;
	[dreg:$0x1f] =	wrdreg s25  }
.Ltmp0:
0x22: {  	s25 =	simm.s32 $0x50;
	v3 =	vmov s14;
	s14 =	simm.s32 $0x0;
	(pc) =	sbr.rel .LBB2_1-.Ltmp0, $4  }
0x23: {  	[dreg:$0xa] =	wrdreg s10;
	s10 =	sadd.s32 s8, s17;
	s17 =	sadd.s32 $0xA0, s9  }
0x24: {  	v1 =	vmov s12;
	s12 =	simm.s32 $0xD400;
	[dreg:$0xc] =	wrdreg s10;
	s10 =	smax.u32 s11, $0x1  }
0x25: {  	s11 =	sor.u32 $0x200, s3;
	[dreg:$0x17] =	wrdreg s10;
	s10 =	sor.u32 $0x2A00, s3  }
0x26: {  	v4 =	vimm.f32 $0.0e+00;
	[dreg:$0x18] =	wrdreg s16;
	s3 =	simm.s32 $0x8400;
	v0 =	vmov s11;
	s11 =	simm.s32 $0x4;
	v2 =	vmov s10  }
.LBB2_10:
0x27: {  	s10 =	simm.s32 $0x5  }
0x28: {  	_ =	swait.ge [sflag:s10], $0x2800  }
0x29: {  	[sflag:s10] =	ssyncset.done $0x0  }
0x2a: {  	s15 =	simm.s32 $0x6;
	[sflag:s10] =	ssyncadd.s32 $0xFFFFD800  }
0x2b: {  	_ =	swait.ge [sflag:s15], $0x2800  }
0x2c: {  	[sflag:s15] =	ssyncset.done $0x0  }
0x2d: {  	[sflag:s15] =	ssyncadd.s32 $0xFFFFD800  }
0x2e: {  	[bflag:$0x0] =	sbarrier.arrive $0xFFFF  }
0x2f: {  	s14 =	simm.s32 $0xFC00;
	s15 =	rddreg [dreg:$0x6]  }
0x30: {  	[tilespmem:s14], [sflag:$0x7] =	stream.linear.gather [spmem:s15], $0x1000, $0x38;
	[tilespmem:$0x1AC00] =	vst v63  }
0x31: {  	_ =	swait.ge [sflag:s20], $0x1000  }
0x32: {  	[sflag:s20] =	ssyncset.done $0x0  }
0x33: {  	s16 =	rddreg [dreg:$0xd];
	[sflag:s20] =	ssyncadd.s32 $0xFFFFF000  }
0x34: {  	[hbm4b:s16+s6] =	stream.linear.scatter [tilespmem:s14], [sflag:$0x7], $0x1000, $0x38;
	[tilespmem:$0x1AC00] =	vst v63  }
0x35: {  	_ =	swait.ge [sflag:s20], $0x1000  }
0x36: {  	[sflag:s20] =	ssyncset.done $0x0  }
0x37: {  	s16 =	rddreg [dreg:$0x18];
	[sflag:s20] =	ssyncadd.s32 $0xFFFFF000  }
0x38: {  	[tilespmem:s14], [sflag:$0x7] =	stream.linear.gather [spmem:s16], $0x1000, $0x38;
	[tilespmem:$0x1AC00] =	vst v63  }
0x39: {  	_ =	swait.ge [sflag:s20], $0x1000  }
0x3a: {  	[sflag:s20] =	ssyncset.done $0x0  }
0x3b: {  	s19 =	rddreg [dreg:$0xe];
	[sflag:s20] =	ssyncadd.s32 $0xFFFFF000  }
0x3c: {  	[hbm4b:s19+s6] =	stream.linear.scatter [tilespmem:s14], [sflag:$0x7], $0x1000, $0x38;
	[tilespmem:$0x1AC00] =	vst v63  }
0x3d: {  	_ =	swait.ge [sflag:s20], $0x1000  }
0x3e: {  	[sflag:s20] =	ssyncset.done $0x0  }
0x3f: {  	s19 =	rddreg [dreg:$0x19];
	[sflag:s20] =	ssyncadd.s32 $0xFFFFF000  }
0x40: {  	[tilespmem:s14], [sflag:$0x7] =	stream.linear.gather [spmem:s19], $0x1000, $0x38;
	[tilespmem:$0x1AC00] =	vst v63  }
0x41: {  	_ =	swait.ge [sflag:s20], $0x1000  }
0x42: {  	[sflag:s20] =	ssyncset.done $0x0  }
0x43: {  	s22 =	rddreg [dreg:$0xf];
	[sflag:s20] =	ssyncadd.s32 $0xFFFFF000  }
0x44: {  	[hbm4b:s22+s6] =	stream.linear.scatter [tilespmem:s14], [sflag:$0x7], $0x1000, $0x38;
	[tilespmem:$0x1AC00] =	vst v63  }
0x45: {  	_ =	swait.ge [sflag:s20], $0x1000  }
0x46: {  	[sflag:s20] =	ssyncset.done $0x0  }
0x47: {  	s22 =	rddreg [dreg:$0x1a];
	[sflag:s20] =	ssyncadd.s32 $0xFFFFF000  }
0x48: {  	[tilespmem:s14], [sflag:$0x7] =	stream.linear.gather [spmem:s22], $0x1000, $0x38;
	[tilespmem:$0x1AC00] =	vst v63  }
0x49: {  	_ =	swait.ge [sflag:s20], $0x1000  }
0x4a: {  	[sflag:s20] =	ssyncset.done $0x0  }
0x4b: {  	s23 =	rddreg [dreg:$0x10];
	[sflag:s20] =	ssyncadd.s32 $0xFFFFF000  }
0x4c: {  	[hbm4b:s23+s6] =	stream.linear.scatter [tilespmem:s14], [sflag:$0x7], $0x1000, $0x38;
	[tilespmem:$0x1AC00] =	vst v63  }
0x4d: {  	_ =	swait.ge [sflag:s20], $0x1000  }
0x4e: {  	[sflag:s20] =	ssyncset.done $0x0  }
0x4f: {  	s23 =	rddreg [dreg:$0x1b];
	[sflag:s20] =	ssyncadd.s32 $0xFFFFF000  }
0x50: {  	[tilespmem:s14], [sflag:$0x7] =	stream.linear.gather [spmem:s23], $0x1000, $0x38;
	[tilespmem:$0x1AC00] =	vst v63  }
0x51: {  	_ =	swait.ge [sflag:s20], $0x1000  }
0x52: {  	[sflag:s20] =	ssyncset.done $0x0  }
0x53: {  	s10 =	rddreg [dreg:$0x11];
	[sflag:s20] =	ssyncadd.s32 $0xFFFFF000  }
0x54: {  	[hbm4b:s10+s6] =	stream.linear.scatter [tilespmem:s14], [sflag:$0x7], $0x1000, $0x38;
	[tilespmem:$0x1AC00] =	vst v63  }
0x55: {  	_ =	swait.ge [sflag:s20], $0x1000  }
0x56: {  	[sflag:s20] =	ssyncset.done $0x0  }
0x57: {  	s10 =	rddreg [dreg:$0x1c];
	[sflag:s20] =	ssyncadd.s32 $0xFFFFF000  }
0x58: {  	[tilespmem:s14], [sflag:$0x7] =	stream.linear.gather [spmem:s10], $0x1000, $0x38;
	[tilespmem:$0x1AC00] =	vst v63  }
0x59: {  	_ =	swait.ge [sflag:s20], $0x1000  }
0x5a: {  	[sflag:s20] =	ssyncset.done $0x0  }
0x5b: {  	s10 =	rddreg [dreg:$0x12];
	[sflag:s20] =	ssyncadd.s32 $0xFFFFF000  }
0x5c: {  	[hbm4b:s10+s6] =	stream.linear.scatter [tilespmem:s14], [sflag:$0x7], $0x1000, $0x38;
	[tilespmem:$0x1AC00] =	vst v63  }
0x5d: {  	_ =	swait.ge [sflag:s20], $0x1000  }
0x5e: {  	[sflag:s20] =	ssyncset.done $0x0  }
0x5f: {  	s10 =	rddreg [dreg:$0x1d];
	[sflag:s20] =	ssyncadd.s32 $0xFFFFF000  }
0x60: {  	[tilespmem:s14], [sflag:$0x7] =	stream.linear.gather [spmem:s10], $0x1000, $0x38;
	[tilespmem:$0x1AC00] =	vst v63  }
0x61: {  	_ =	swait.ge [sflag:s20], $0x1000  }
0x62: {  	[sflag:s20] =	ssyncset.done $0x0  }
0x63: {  	s10 =	rddreg [dreg:$0x13];
	[sflag:s20] =	ssyncadd.s32 $0xFFFFF000  }
0x64: {  	[hbm4b:s10+s6] =	stream.linear.scatter [tilespmem:s14], [sflag:$0x7], $0x1000, $0x38;
	[tilespmem:$0x1AC00] =	vst v63  }
0x65: {  	_ =	swait.ge [sflag:s20], $0x1000  }
0x66: {  	[sflag:s20] =	ssyncset.done $0x0  }
0x67: {  	s10 =	rddreg [dreg:$0x1e];
	[sflag:s20] =	ssyncadd.s32 $0xFFFFF000  }
0x68: {  	[tilespmem:s14], [sflag:$0x7] =	stream.linear.gather [spmem:s10], $0x1000, $0x38;
	[tilespmem:$0x1AC00] =	vst v63  }
0x69: {  	_ =	swait.ge [sflag:s20], $0x1000  }
0x6a: {  	[sflag:s20] =	ssyncset.done $0x0  }
0x6b: {  	s10 =	rddreg [dreg:$0x14];
	[sflag:s20] =	ssyncadd.s32 $0xFFFFF000  }
0x6c: {  	[hbm4b:s10+s6] =	stream.linear.scatter [tilespmem:s14], [sflag:$0x7], $0x1000, $0x38;
	[tilespmem:$0x1AC00] =	vst v63  }
0x6d: {  	_ =	swait.ge [sflag:s20], $0x1000  }
0x6e: {  	[sflag:s20] =	ssyncset.done $0x0  }
0x6f: {  	s10 =	rddreg [dreg:$0x1f];
	[sflag:s20] =	ssyncadd.s32 $0xFFFFF000  }
0x70: {  	[tilespmem:s14], [sflag:$0x7] =	stream.linear.gather [spmem:s10], $0x1000, $0x38;
	[tilespmem:$0x1AC00] =	vst v63  }
0x71: {  	_ =	swait.ge [sflag:s20], $0x1000  }
0x72: {  	[sflag:s20] =	ssyncset.done $0x0  }
0x73: {  	s10 =	rddreg [dreg:$0x15];
	[sflag:s20] =	ssyncadd.s32 $0xFFFFF000  }
0x74: {  	[hbm4b:s10+s6] =	stream.linear.scatter [tilespmem:s14], [sflag:$0x7], $0x1000, $0x38;
	[tilespmem:$0x1AC00] =	vst v63  }
0x75: {  	_ =	swait.ge [sflag:s20], $0x1000  }
0x76: {  	s10 =	sld [smem:$0x7FD]  }
0x77: {  	[sflag:s20] =	ssyncset.done $0x0  }
0x78: {  	[sflag:s20] =	ssyncadd.s32 $0xFFFFF000  }
0x79: {  	[tilespmem:s14], [sflag:$0x7] =	stream.linear.gather [spmem:s10], $0x1000, $0x38;
	[tilespmem:$0x1AC00] =	vst v63  }
0x7a: {  	_ =	swait.ge [sflag:s20], $0x1000  }
0x7b: {  	[sflag:s20] =	ssyncset.done $0x0  }
0x7c: {  	s10 =	rddreg [dreg:$0x16];
	[sflag:s20] =	ssyncadd.s32 $0xFFFFF000  }
0x7d: {  	[hbm4b:s10+s6] =	stream.linear.scatter [tilespmem:s14], [sflag:$0x7], $0x1000, $0x38;
	[tilespmem:$0x1AC00] =	vst v63  }
0x7e: {  	_ =	swait.ge [sflag:s20], $0x1000  }
0x7f: {  	s10 =	sld [smem:$0x7FC];
	_ =	sdelay $0x2  }
0x80: {  	s14 =	sadd.s32 $0x1, s10;
	s10 =	rddreg [dreg:$0x17]  }
0x81: {  	p0 =	sne.s32 s14, s10  }
.Ltmp1:
0x82: {  	_ = 	snop;
	(pc) =	sbr.rel @!p0 .LBB2_11-.Ltmp1, $3  }
0x83: {  	_ =	sdelay $0x1  }
0x84: {  	[sflag:s20] =	ssyncset.done $0x0  }
0x85: {  	[sflag:s20] =	ssyncadd.s32 $0xFFFFF000  }
.LBB2_1:
0x86: {  	[smem:$0x7FC] =	sst s14;
	s10 =	simm.s32 $0x0;
	s14 =	simm.s32 $0x200  }
.LBB2_2:
0x87: {  	p0 =	sne.s32 s14, $0x3E00;
	[tilespmem:s10+$0xFC70] =	vst v4  }
0x88: {  	[tilespmem:s10+$0xFC00] =	vst v4  }
0x89: {  	[tilespmem:s10+$0xFC10] =	vst v4  }
.Ltmp2:
0x8a: {  	[tilespmem:s10+$0xFC20] =	vst v4;
	(pc) =	sbr.rel @p0 .LBB2_2-.Ltmp2, $4  }
0x8b: {  	[tilespmem:s10+$0xFC30] =	vst v4  }
0x8c: {  	[tilespmem:s10+$0xFC40] =	vst v4  }
0x8d: {  	[tilespmem:s10+$0xFC50] =	vst v4  }
0x8e: {  	[tilespmem:s10+$0xFC60] =	vst v4;
	s10 =	sshra.s32 s14, $0x2;
	s14 =	sadd.s32 $0x200, s14  }
0x8f: {  	[tilespmem:s10+$0xFC70] =	vst v4  }
0x90: {  	[tilespmem:s10+$0xFC00] =	vst v4  }
0x91: {  	[tilespmem:s10+$0xFC10] =	vst v4  }
0x92: {  	[tilespmem:s10+$0xFC20] =	vst v4  }
0x93: {  	[tilespmem:s10+$0xFC30] =	vst v4  }
0x94: {  	[tilespmem:s10+$0xFC40] =	vst v4  }
0x95: {  	[tilespmem:s10+$0xFC50] =	vst v4  }
0x96: {  	[tilespmem:s10+$0xFC60] =	vst v4;
	s14 =	simm.s32 $0xFC00  }
0x97: {  	[spmem:s15] =	stream.linear.scatter [tilespmem:s14], [sflag:$0x7], $0x1000, $0x38;
	[tilespmem:$0x1AC00] =	vst v63  }
0x98: {  	_ =	swait.ge [sflag:s20], $0x1000  }
0x99: {  	[sflag:s20] =	ssyncset.done $0x0  }
0x9a: {  	[sflag:s20] =	ssyncadd.s32 $0xFFFFF000  }
0x9b: {  	[spmem:s16] =	stream.linear.scatter [tilespmem:s14], [sflag:$0x7], $0x1000, $0x38;
	[tilespmem:$0x1AC00] =	vst v63  }
0x9c: {  	_ =	swait.ge [sflag:s20], $0x1000  }
0x9d: {  	[sflag:s20] =	ssyncset.done $0x0  }
0x9e: {  	[sflag:s20] =	ssyncadd.s32 $0xFFFFF000  }
0x9f: {  	[spmem:s19] =	stream.linear.scatter [tilespmem:s14], [sflag:$0x7], $0x1000, $0x38;
	[tilespmem:$0x1AC00] =	vst v63  }
0xa0: {  	_ =	swait.ge [sflag:s20], $0x1000  }
0xa1: {  	[sflag:s20] =	ssyncset.done $0x0  }
0xa2: {  	[sflag:s20] =	ssyncadd.s32 $0xFFFFF000  }
0xa3: {  	[spmem:s22] =	stream.linear.scatter [tilespmem:s14], [sflag:$0x7], $0x1000, $0x38;
	[tilespmem:$0x1AC00] =	vst v63  }
0xa4: {  	_ =	swait.ge [sflag:s20], $0x1000  }
0xa5: {  	[sflag:s20] =	ssyncset.done $0x0  }
0xa6: {  	[sflag:s20] =	ssyncadd.s32 $0xFFFFF000  }
0xa7: {  	[spmem:s23] =	stream.linear.scatter [tilespmem:s14], [sflag:$0x7], $0x1000, $0x38;
	[tilespmem:$0x1AC00] =	vst v63  }
0xa8: {  	_ =	swait.ge [sflag:s20], $0x1000  }
0xa9: {  	[sflag:s20] =	ssyncset.done $0x0  }
0xaa: {  	s15 =	rddreg [dreg:$0x1c];
	[sflag:s20] =	ssyncadd.s32 $0xFFFFF000  }
0xab: {  	[spmem:s15] =	stream.linear.scatter [tilespmem:s14], [sflag:$0x7], $0x1000, $0x38;
	[tilespmem:$0x1AC00] =	vst v63  }
0xac: {  	_ =	swait.ge [sflag:s20], $0x1000  }
0xad: {  	[sflag:s20] =	ssyncset.done $0x0  }
0xae: {  	s16 =	rddreg [dreg:$0x1d];
	[sflag:s20] =	ssyncadd.s32 $0xFFFFF000  }
0xaf: {  	[spmem:s16] =	stream.linear.scatter [tilespmem:s14], [sflag:$0x7], $0x1000, $0x38;
	[tilespmem:$0x1AC00] =	vst v63  }
0xb0: {  	_ =	swait.ge [sflag:s20], $0x1000  }
0xb1: {  	[sflag:s20] =	ssyncset.done $0x0  }
0xb2: {  	s19 =	rddreg [dreg:$0x1e];
	[sflag:s20] =	ssyncadd.s32 $0xFFFFF000  }
0xb3: {  	[spmem:s19] =	stream.linear.scatter [tilespmem:s14], [sflag:$0x7], $0x1000, $0x38;
	[tilespmem:$0x1AC00] =	vst v63  }
0xb4: {  	_ =	swait.ge [sflag:s20], $0x1000  }
0xb5: {  	[sflag:s20] =	ssyncset.done $0x0  }
0xb6: {  	s22 =	rddreg [dreg:$0x1f];
	[sflag:s20] =	ssyncadd.s32 $0xFFFFF000  }
0xb7: {  	[spmem:s22] =	stream.linear.scatter [tilespmem:s14], [sflag:$0x7], $0x1000, $0x38;
	[tilespmem:$0x1AC00] =	vst v63  }
0xb8: {  	_ =	swait.ge [sflag:s20], $0x1000  }
0xb9: {  	s23 =	sld [smem:$0x7FD]  }
0xba: {  	[sflag:s20] =	ssyncset.done $0x0  }
0xbb: {  	[sflag:s20] =	ssyncadd.s32 $0xFFFFF000  }
0xbc: {  	[spmem:s23] =	stream.linear.scatter [tilespmem:s14], [sflag:$0x7], $0x1000, $0x38;
	[tilespmem:$0x1AC00] =	vst v63  }
0xbd: {  	_ =	swait.ge [sflag:s20], $0x1000  }
0xbe: {  	[sflag:s20] =	ssyncset.done $0x0  }
0xbf: {  	[sflag:s20] =	ssyncadd.s32 $0xFFFFF000  }
0xc0: {  	[bflag:$0x0] =	sbarrier.arrive $0xFFFF  }
0xc1: {  	s15 =	simm.s32 $0x0;
	s14 =	rddreg [dreg:$0x7]  }
0xc2: {  	[tilespmem:s15], [sflag:$0x1] =	stream.linear.gather [hbm4b:s14+s15], $0x50, $0x38;
	[tilespmem:$0x1AC00] =	vst v63  }
0xc3: {  	s19 =	simm.s32 $0x200;
	s16 =	rddreg [dreg:$0x8]  }
0xc4: {  	[tilespmem:s19], [sflag:$0x1] =	stream.linear.gather [hbm4b:s16+s15], $0x2800, $0x38;
	[tilespmem:$0x1AC00] =	vst v63  }
0xc5: {  	s23 =	simm.s32 $0x5200;
	s22 =	rddreg [dreg:$0x9]  }
0xc6: {  	[tilespmem:s23], [sflag:$0x1] =	stream.linear.gather [hbm4b:s22+s15], $0x500, $0x38;
	[tilespmem:$0x1AC00] =	vst v63  }
0xc7: {  	s14 =	rddreg [dreg:$0xa]  }
0xc8: {  	[tilespmem:s21], [sflag:$0x2] =	stream.linear.gather [hbm4b:s14+s15], $0x50, $0x38;
	[tilespmem:$0x1AC00] =	vst v63  }
0xc9: {  	s16 =	rddreg [dreg:$0xb];
	s19 =	simm.s32 $0x2A00  }
0xca: {  	[tilespmem:s19], [sflag:$0x2] =	stream.linear.gather [hbm4b:s16+s15], $0x2800, $0x38;
	[tilespmem:$0x1AC00] =	vst v63  }
0xcb: {  	s22 =	rddreg [dreg:$0xc];
	s23 =	simm.s32 $0x5700;
	s16 =	simm.s32 $0x0  }
0xcc: {  	[tilespmem:s23], [sflag:$0x2] =	stream.linear.gather [hbm4b:s22+s15], $0x500, $0x38;
	[tilespmem:$0x1AC00] =	vst v63  }
.LBB2_4:
0xcd: {  	_ =	swait.ge [sflag:s24], $0x50  }
0xce: {  	[sflag:s24] =	ssyncset.done $0x0  }
0xcf: {  	[sflag:s24] =	ssyncadd.s32 $0xFFFFFFB0  }
0xd0: {  	_ =	swait.ge [sflag:s24], $0x2800  }
0xd1: {  	[sflag:s24] =	ssyncset.done $0x0  }
0xd2: {  	[sflag:s24] =	ssyncadd.s32 $0xFFFFD800  }
0xd3: {  	_ =	swait.ge [sflag:s24], $0x500  }
0xd4: {  	p0 =	seq.s32 s16, $0x0;
	[sflag:s24] =	ssyncset.done $0x0  }
0xd5: {  	s10 =	smul.u32 $0xA0, s16;
	s14 =	simm.s32 @!p0 $0x5;
	[sflag:s24] =	ssyncadd.s32 $0xFFFFFB00  }
0xd6: {  	[tilespmem:s26], [sflag:$0x3] =	stream.indirect.gather [hbm4b:s4+s25], $0x80, s6, s25, $0xb8;
	[tilespmem:$0x1AC00] =	vst v63  }
0xd7: {  	s19 =	sadd.s32 s9, s10;
	_ =	swait.ge @!p0 [sflag:s14], $0x2800  }
0xd8: {  	s19 =	sshrl.u32 s19, $0x3;
	[sflag:s14] =	ssyncset.done @!p0 $0x0  }
0xd9: {  	s23 =	sadd.s32 s2, s19;
	[sflag:s14] =	ssyncadd.s32 @!p0 $0xFFFFD800  }
0xda: {  	[tilespmem:s28], [sflag:$0x7] =	stream.linear.gather [hbm4b:s23+s15], $0x50, $0x38;
	[tilespmem:$0x1AC00] =	vst v63  }
0xdb: {  	_ =	swait.ge [sflag:s20], $0x50  }
0xdc: {  	[sflag:s20] =	ssyncset.done $0x0  }
0xdd: {  	[sflag:s20] =	ssyncadd.s32 $0xFFFFFFB0  }
0xde: {  	v5 =	vld [tilespmem:$0x100]  }
0xdf: {  	v6 =	vld [tilespmem:$0x110]  }
0xe0: {  	v7 =	vld [tilespmem:$0x120]  }
0xe1: {  	v8 =	vld [tilespmem:$0x130]  }
0xe2: {  	v9 =	vld [tilespmem:$0x140]  }
0xe3: {  	v5 =	vshra.s32 v5, $0x1  }
0xe4: {  	[tilespmem:$0x100] =	vst v5;
	v5 =	vshra.s32 v6, $0x1  }
0xe5: {  	[tilespmem:$0x110] =	vst v5;
	v5 =	vshra.s32 v7, $0x1  }
0xe6: {  	[tilespmem:$0x120] =	vst v5;
	v5 =	vshra.s32 v8, $0x1  }
0xe7: {  	[tilespmem:$0x130] =	vst v5;
	v5 =	vshra.s32 v9, $0x1  }
0xe8: {  	[tilespmem:$0x140] =	vst v5  }
0xe9: {  	_ =	swait.ge [sflag:s29], $0x2800  }
0xea: {  	[sflag:s29] =	ssyncset.done $0x0  }
0xeb: {  	s14 =	simm.s32 $0x0;
	[sflag:s29] =	ssyncadd.s32 $0xFFFFD800  }
0xec: {  	v7 =	vld.idx.msk [tilespmem:v0+s14+$0x0 ss:$0x1], $0xffff  }
0xed: {  	s19 =	simm.s32 $0x5200;
	v8 =	vld.idx.msk [tilespmem:v1+s14+$0xFFFFFFD0 ss:$0x1], $0xffff  }
0xee: {  	v5 =	vld [tilespmem:s19+$0x0];
	_ =	sdelay $0x4  }
0xef: {  	v6 =	vsub.f32 $1.000000000e+00, v5;
	v7 =	vmul.f32 v8, v7;
	_ =	sdelay $0x1  }
0xf0: {  	v8 =	vmul.f32 v7, v6  }
0xf1: {  	v7 =	vmul.f32 v7, v5  }
0xf2: {  	[tilespmem:s14+$0xAC00] =	vst v8  }
0xf3: {  	[tilespmem:s14+$0xAC40] =	vst v7  }
0xf4: {  	v7 =	vld.idx.msk [tilespmem:v0+s14+$0x10 ss:$0x1], $0xffff  }
0xf5: {  	v8 =	vld.idx.msk [tilespmem:v1+s14+$0xFFFFFFE0 ss:$0x1], $0xffff;
	_ =	sdelay $0x4  }
0xf6: {  	v7 =	vmul.f32 v8, v7;
	_ =	sdelay $0x1  }
0xf7: {  	v8 =	vmul.f32 v7, v6  }
0xf8: {  	v7 =	vmul.f32 v7, v5  }
0xf9: {  	[tilespmem:s14+$0xAC10] =	vst v8  }
0xfa: {  	[tilespmem:s14+$0xAC50] =	vst v7  }
0xfb: {  	v7 =	vld.idx.msk [tilespmem:v0+s14+$0x20 ss:$0x1], $0xffff  }
0xfc: {  	v8 =	vld.idx.msk [tilespmem:v1+s14+$0xFFFFFFF0 ss:$0x1], $0xffff;
	_ =	sdelay $0x4  }
0xfd: {  	v7 =	vmul.f32 v8, v7;
	_ =	sdelay $0x1  }
0xfe: {  	v8 =	vmul.f32 v7, v6  }
0xff: {  	v7 =	vmul.f32 v7, v5  }
0x100: {  	[tilespmem:s14+$0xAC20] =	vst v8  }
0x101: {  	[tilespmem:s14+$0xAC60] =	vst v7  }
0x102: {  	v7 =	vld.idx.msk [tilespmem:v0+s14+$0x30 ss:$0x1], $0xffff  }
0x103: {  	s22 =	simm.s32 $0x200;
	v8 =	vld.idx.msk [tilespmem:v1+s14+$0x0 ss:$0x1], $0xffff  }
.LBB2_5:
0x104: {  	p1 =	sne.s32 s22, $0x9E00  }
0x105: {  	s19 =	sadd.s32 $0x10, s19;
	s23 =	smov.u32 s22;
	s22 =	sadd.s32 $0x200, s22  }
0x106: {  	_ =	sdelay $0x3  }
0x107: {  	v7 =	vmul.f32 v8, v7;
	_ =	sdelay $0x1  }
0x108: {  	v6 =	vmul.f32 v7, v6;
	v5 =	vmul.f32 v7, v5  }
0x109: {  	s23 =	sshra.s32 s23, $0x2  }
0x10a: {  	[tilespmem:s14+$0xAC30] =	vst v6  }
0x10b: {  	[tilespmem:s14+$0xAC70] =	vst v5;
	s14 =	smov.u32 s23  }
0x10c: {  	v7 =	vld.idx.msk [tilespmem:v0+s14+$0x0 ss:$0x1], $0xffff  }
0x10d: {  	v8 =	vld.idx.msk [tilespmem:v1+s14+$0xFFFFFFD0 ss:$0x1], $0xffff  }
0x10e: {  	v5 =	vld [tilespmem:s19+$0x0];
	_ =	sdelay $0x4  }
0x10f: {  	v7 =	vmul.f32 v8, v7;
	v6 =	vsub.f32 $1.000000000e+00, v5;
	_ =	sdelay $0x1  }
0x110: {  	v8 =	vmul.f32 v7, v6;
	v7 =	vmul.f32 v7, v5;
	_ =	sdelay $0x1  }
0x111: {  	[tilespmem:s14+$0xAC00] =	vst v8  }
0x112: {  	[tilespmem:s14+$0xAC40] =	vst v7  }
0x113: {  	v7 =	vld.idx.msk [tilespmem:v0+s14+$0x10 ss:$0x1], $0xffff  }
0x114: {  	v8 =	vld.idx.msk [tilespmem:v1+s14+$0xFFFFFFE0 ss:$0x1], $0xffff;
	_ =	sdelay $0x5  }
0x115: {  	v7 =	vmul.f32 v8, v7;
	_ =	sdelay $0x1  }
0x116: {  	v8 =	vmul.f32 v7, v6;
	v7 =	vmul.f32 v7, v5;
	_ =	sdelay $0x1  }
0x117: {  	[tilespmem:s14+$0xAC10] =	vst v8  }
0x118: {  	[tilespmem:s14+$0xAC50] =	vst v7  }
0x119: {  	v7 =	vld.idx.msk [tilespmem:v0+s14+$0x20 ss:$0x1], $0xffff  }
0x11a: {  	v8 =	vld.idx.msk [tilespmem:v1+s14+$0xFFFFFFF0 ss:$0x1], $0xffff;
	_ =	sdelay $0x5  }
0x11b: {  	v7 =	vmul.f32 v8, v7;
	_ =	sdelay $0x1  }
0x11c: {  	v8 =	vmul.f32 v7, v6;
	v7 =	vmul.f32 v7, v5  }
.Ltmp3:
0x11d: {  	(pc) =	sbr.rel @p1 .LBB2_5-.Ltmp3, $4  }
0x11e: {  	[tilespmem:s14+$0xAC20] =	vst v8  }
0x11f: {  	[tilespmem:s14+$0xAC60] =	vst v7  }
0x120: {  	v7 =	vld.idx.msk [tilespmem:v0+s14+$0x30 ss:$0x1], $0xffff  }
0x121: {  	v8 =	vld.idx.msk [tilespmem:v1+s14+$0x0 ss:$0x1], $0xffff  }
0x122: {  	_ =	sdelay $0x3  }
0x123: {  	v7 =	vmul.f32 v8, v7;
	_ =	sdelay $0x1  }
0x124: {  	v6 =	vmul.f32 v7, v6  }
0x125: {  	v5 =	vmul.f32 v7, v5  }
0x126: {  	p1 =	seq.s32 s16, $0x7C;
	[tilespmem:s14+$0xAC30] =	vst v6  }
0x127: {  	[tilespmem:s14+$0xAC70] =	vst v5;
	s14 =	sadd.s32 @!p1 s10, s17  }
0x128: {  	[spmem:s5] =	stream.indirect.scatter.add.f32 [tilespmem:s30], [sflag:$0x5], $0x80, s28, s25, $0xb8;
	[tilespmem:$0x1AC00] =	vst v63  }
0x129: {  	s19 =	sshrl.u32 @!p1 s14, $0x3  }
0x12a: {  	s22 =	simm.s32 @!p1 $0x0;
	s19 =	sadd.s32 @!p1 s1, s19  }
0x12b: {  	[tilespmem:s22], [sflag:$0x1] =	stream.linear.gather @!p1 [hbm4b:s19+s22], $0x50, $0x38;
	[tilespmem:$0x1AC00] =	vst v63  }
0x12c: {  	s19 =	sshll.u32 @!p1 s14, $0x4  }
0x12d: {  	s23 =	simm.s32 @!p1 $0x200;
	s14 =	sshll.u32 @!p1 s14, $0x1;
	s19 =	sadd.s32 @!p1 s7, s19  }
0x12e: {  	[tilespmem:s23], [sflag:$0x1] =	stream.linear.gather @!p1 [hbm4b:s19+s22], $0x2800, $0x38;
	[tilespmem:$0x1AC00] =	vst v63  }
0x12f: {  	s14 =	sadd.s32 @!p1 s8, s14;
	s19 =	simm.s32 @!p1 $0x5200  }
0x130: {  	[tilespmem:s19], [sflag:$0x1] =	stream.linear.gather @!p1 [hbm4b:s14+s22], $0x500, $0x38;
	[tilespmem:$0x1AC00] =	vst v63  }
0x131: {  	_ =	swait.ge [sflag:s31], $0x50  }
0x132: {  	[sflag:s31] =	ssyncset.done $0x0  }
0x133: {  	[sflag:s31] =	ssyncadd.s32 $0xFFFFFFB0  }
0x134: {  	_ =	swait.ge [sflag:s31], $0x2800  }
0x135: {  	[sflag:s31] =	ssyncset.done $0x0  }
0x136: {  	[sflag:s31] =	ssyncadd.s32 $0xFFFFD800  }
0x137: {  	_ =	swait.ge [sflag:s31], $0x500  }
0x138: {  	[sflag:s31] =	ssyncset.done $0x0  }
0x139: {  	s14 =	simm.s32 @!p0 $0x6;
	[sflag:s31] =	ssyncadd.s32 $0xFFFFFB00  }
0x13a: {  	[tilespmem:s3], [sflag:$0x4] =	stream.indirect.gather [hbm4b:s4+s25], $0x80, s21, s25, $0xb8;
	[tilespmem:$0x1AC00] =	vst v63  }
0x13b: {  	s23 =	sadd.s32 s10, s13;
	_ =	swait.ge @!p0 [sflag:s14], $0x2800  }
0x13c: {  	s19 =	sshrl.u32 s23, $0x3;
	[sflag:s14] =	ssyncset.done @!p0 $0x0  }
0x13d: {  	s23 =	simm.s32 $0x0;
	s22 =	sadd.s32 s2, s19;
	[sflag:s14] =	ssyncadd.s32 @!p0 $0xFFFFD800  }
0x13e: {  	[tilespmem:s0], [sflag:$0x7] =	stream.linear.gather [hbm4b:s22+s23], $0x50, $0x38;
	[tilespmem:$0x1AC00] =	vst v63  }
0x13f: {  	_ =	swait.ge [sflag:s20], $0x50  }
0x140: {  	[sflag:s20] =	ssyncset.done $0x0  }
0x141: {  	[sflag:s20] =	ssyncadd.s32 $0xFFFFFFB0  }
0x142: {  	v5 =	vld [tilespmem:$0x180]  }
0x143: {  	v6 =	vld [tilespmem:$0x190]  }
0x144: {  	v7 =	vld [tilespmem:$0x1A0]  }
0x145: {  	v8 =	vld [tilespmem:$0x1B0]  }
0x146: {  	v9 =	vld [tilespmem:$0x1C0]  }
0x147: {  	v5 =	vshra.s32 v5, $0x1  }
0x148: {  	[tilespmem:$0x180] =	vst v5;
	v5 =	vshra.s32 v6, $0x1  }
0x149: {  	[tilespmem:$0x190] =	vst v5;
	v5 =	vshra.s32 v7, $0x1  }
0x14a: {  	[tilespmem:$0x1A0] =	vst v5;
	v5 =	vshra.s32 v8, $0x1  }
0x14b: {  	[tilespmem:$0x1B0] =	vst v5;
	v5 =	vshra.s32 v9, $0x1  }
0x14c: {  	[tilespmem:$0x1C0] =	vst v5  }
0x14d: {  	_ =	swait.ge [sflag:s11], $0x2800  }
0x14e: {  	[sflag:s11] =	ssyncset.done $0x0  }
0x14f: {  	s14 =	simm.s32 $0x0;
	[sflag:s11] =	ssyncadd.s32 $0xFFFFD800  }
0x150: {  	v7 =	vld.idx.msk [tilespmem:v2+s14+$0x0 ss:$0x1], $0xffff  }
0x151: {  	s19 =	simm.s32 $0x5700;
	v8 =	vld.idx.msk [tilespmem:v3+s14+$0xFFFFFFD0 ss:$0x1], $0xffff  }
0x152: {  	v5 =	vld [tilespmem:s19+$0x0];
	_ =	sdelay $0x4  }
0x153: {  	v6 =	vsub.f32 $1.000000000e+00, v5;
	v7 =	vmul.f32 v8, v7;
	_ =	sdelay $0x1  }
0x154: {  	v8 =	vmul.f32 v7, v6  }
0x155: {  	v7 =	vmul.f32 v7, v5  }
0x156: {  	[tilespmem:s14+$0xD400] =	vst v8  }
0x157: {  	[tilespmem:s14+$0xD440] =	vst v7  }
0x158: {  	v7 =	vld.idx.msk [tilespmem:v2+s14+$0x10 ss:$0x1], $0xffff  }
0x159: {  	v8 =	vld.idx.msk [tilespmem:v3+s14+$0xFFFFFFE0 ss:$0x1], $0xffff;
	_ =	sdelay $0x4  }
0x15a: {  	v7 =	vmul.f32 v8, v7;
	_ =	sdelay $0x1  }
0x15b: {  	v8 =	vmul.f32 v7, v6  }
0x15c: {  	v7 =	vmul.f32 v7, v5  }
0x15d: {  	[tilespmem:s14+$0xD410] =	vst v8  }
0x15e: {  	[tilespmem:s14+$0xD450] =	vst v7  }
0x15f: {  	v7 =	vld.idx.msk [tilespmem:v2+s14+$0x20 ss:$0x1], $0xffff  }
0x160: {  	v8 =	vld.idx.msk [tilespmem:v3+s14+$0xFFFFFFF0 ss:$0x1], $0xffff;
	_ =	sdelay $0x4  }
0x161: {  	v7 =	vmul.f32 v8, v7;
	_ =	sdelay $0x1  }
0x162: {  	v8 =	vmul.f32 v7, v6  }
0x163: {  	v7 =	vmul.f32 v7, v5  }
0x164: {  	[tilespmem:s14+$0xD420] =	vst v8  }
0x165: {  	[tilespmem:s14+$0xD460] =	vst v7  }
0x166: {  	v7 =	vld.idx.msk [tilespmem:v2+s14+$0x30 ss:$0x1], $0xffff  }
0x167: {  	s22 =	simm.s32 $0x200;
	v8 =	vld.idx.msk [tilespmem:v3+s14+$0x0 ss:$0x1], $0xffff  }
.LBB2_7:
0x168: {  	p0 =	sne.s32 s22, $0x9E00  }
0x169: {  	s19 =	sadd.s32 $0x10, s19;
	s23 =	smov.u32 s22;
	s22 =	sadd.s32 $0x200, s22  }
0x16a: {  	_ =	sdelay $0x3  }
0x16b: {  	v7 =	vmul.f32 v8, v7;
	_ =	sdelay $0x1  }
0x16c: {  	v6 =	vmul.f32 v7, v6;
	v5 =	vmul.f32 v7, v5  }
0x16d: {  	s23 =	sshra.s32 s23, $0x2  }
0x16e: {  	[tilespmem:s14+$0xD430] =	vst v6  }
0x16f: {  	[tilespmem:s14+$0xD470] =	vst v5;
	s14 =	smov.u32 s23  }
0x170: {  	v7 =	vld.idx.msk [tilespmem:v2+s14+$0x0 ss:$0x1], $0xffff  }
0x171: {  	v8 =	vld.idx.msk [tilespmem:v3+s14+$0xFFFFFFD0 ss:$0x1], $0xffff  }
0x172: {  	v5 =	vld [tilespmem:s19+$0x0];
	_ =	sdelay $0x4  }
0x173: {  	v7 =	vmul.f32 v8, v7;
	v6 =	vsub.f32 $1.000000000e+00, v5;
	_ =	sdelay $0x1  }
0x174: {  	v8 =	vmul.f32 v7, v6;
	v7 =	vmul.f32 v7, v5;
	_ =	sdelay $0x1  }
0x175: {  	[tilespmem:s14+$0xD400] =	vst v8  }
0x176: {  	[tilespmem:s14+$0xD440] =	vst v7  }
0x177: {  	v7 =	vld.idx.msk [tilespmem:v2+s14+$0x10 ss:$0x1], $0xffff  }
0x178: {  	v8 =	vld.idx.msk [tilespmem:v3+s14+$0xFFFFFFE0 ss:$0x1], $0xffff;
	_ =	sdelay $0x5  }
0x179: {  	v7 =	vmul.f32 v8, v7;
	_ =	sdelay $0x1  }
0x17a: {  	v8 =	vmul.f32 v7, v6;
	v7 =	vmul.f32 v7, v5;
	_ =	sdelay $0x1  }
0x17b: {  	[tilespmem:s14+$0xD410] =	vst v8  }
0x17c: {  	[tilespmem:s14+$0xD450] =	vst v7  }
0x17d: {  	v7 =	vld.idx.msk [tilespmem:v2+s14+$0x20 ss:$0x1], $0xffff  }
0x17e: {  	v8 =	vld.idx.msk [tilespmem:v3+s14+$0xFFFFFFF0 ss:$0x1], $0xffff;
	_ =	sdelay $0x5  }
0x17f: {  	v7 =	vmul.f32 v8, v7;
	_ =	sdelay $0x1  }
0x180: {  	v8 =	vmul.f32 v7, v6;
	v7 =	vmul.f32 v7, v5  }
.Ltmp4:
0x181: {  	(pc) =	sbr.rel @p0 .LBB2_7-.Ltmp4, $4  }
0x182: {  	[tilespmem:s14+$0xD420] =	vst v8  }
0x183: {  	[tilespmem:s14+$0xD460] =	vst v7  }
0x184: {  	v7 =	vld.idx.msk [tilespmem:v2+s14+$0x30 ss:$0x1], $0xffff  }
0x185: {  	v8 =	vld.idx.msk [tilespmem:v3+s14+$0x0 ss:$0x1], $0xffff  }
0x186: {  	_ =	sdelay $0x3  }
0x187: {  	v7 =	vmul.f32 v8, v7;
	_ =	sdelay $0x1  }
.Ltmp5:
0x188: {  	v6 =	vmul.f32 v7, v6;
	(pc) =	sbr.rel @p1 .LBB2_10-.Ltmp5, $4  }
0x189: {  	v5 =	vmul.f32 v7, v5  }
0x18a: {  	[tilespmem:s14+$0xD430] =	vst v6  }
0x18b: {  	[tilespmem:s14+$0xD470] =	vst v5  }
0x18c: {  	[spmem:s5] =	stream.indirect.scatter.add.f32 [tilespmem:s12], [sflag:$0x6], $0x80, s0, s25, $0xb8;
	[tilespmem:$0x1AC00] =	vst v63  }
0x18d: {  	s10 =	sadd.s32 s10, s18  }
0x18e: {  	s14 =	sshrl.u32 s10, $0x3  }
0x18f: {  	s14 =	sadd.s32 s1, s14  }
0x190: {  	[tilespmem:s21], [sflag:$0x2] =	stream.linear.gather [hbm4b:s14+s6], $0x50, $0x38;
	[tilespmem:$0x1AC00] =	vst v63  }
.Ltmp6:
0x191: {  	s22 =	sshll.u32 s10, $0x4;
	(pc) =	sbr.rel .LBB2_4-.Ltmp6, $4  }
0x192: {  	s19 =	simm.s32 $0x2A00;
	s10 =	sshll.u32 s10, $0x1;
	s14 =	sadd.s32 s7, s22  }
0x193: {  	[tilespmem:s19], [sflag:$0x2] =	stream.linear.gather [hbm4b:s14+s6], $0x2800, $0x38;
	[tilespmem:$0x1AC00] =	vst v63  }
0x194: {  	s23 =	simm.s32 $0x5700;
	s16 =	sadd.s32 $0x1, s16;
	s10 =	sadd.s32 s8, s10  }
0x195: {  	[tilespmem:s23], [sflag:$0x2] =	stream.linear.gather [hbm4b:s10+s6], $0x500, $0x38;
	[tilespmem:$0x1AC00] =	vst v63  }
.LBB2_11:
0x196: {  	_ =	sfence.sel $0x180000  }
0x197: {  	[bflag:$0x0] =	sbarrier.arrive $0xFFFF  }
0x198: {  	_ =	strace $0x90000047  }
0x199: {  	s0 =	stileid.u32;
	[bflag:$0x2] =	sbarrier.arrive $0xFFFF  }
0x19a: {  	p0 =	sne.s32 s0, $0x0;
	s0 =	rddreg [dreg:$0x5]  }
0x19b: {  	s0 =	sadd.s32 @!p0 $0x100000, s0  }
0x19c: {  	[sflag:s0] =	ssyncadd.tile.s32 @!p0 $0x1;
	_ =	shalt  }
.Lfunc_end2:
_tile_overlayer_lowered:
.L_overlay_start_2:
0x19d: {  	(tag) =	ssettag $0x2  }
0x19e: {  	s0 =	rddreg [dreg:$0x0];
	s2 =	stileid.u32  }
0x19f: {  	s1 =	rddreg [dreg:$0x1];
	p0 =	sne.s32 s2, $0x0  }
0x1a0: {  	s3 =	rddreg [dreg:$0x2];
	[bflag:$0x3] =	sbarrier.arrive $0xFFFF;
	s2 =	simm.s32 @!p0 $0x1C07  }
0x1a1: {  	[timem:s3], [sflag:s2] =	dma.local @!p0 [hbm:s0], s1  }
0x1a2: {  	s0 =	simm.s32 @!p0 $0x7  }
0x1a3: {  	_ =	swait.ge @!p0 [sflag:s0], s1  }
0x1a4: {  	s1 =	ssub.s32 @!p0 $0x0, s1;
	[sflag:s0] =	ssyncset.done @!p0 $0x0  }
0x1a5: {  	[sflag:s0] =	ssyncadd.s32 @!p0 s1  }
0x1a6: {  	[bflag:$0x3] =	sbarrier.arrive $0xFFFF  }
0x1a7: {  	_ =	shalt  }

</sc_bundles>
